<compile_context>
chip_gen: v7x
topology: tpu7x:2x2x1
jax: 0.10.2.dev20260603
libtpu: 0.0.44.dev20260713+nightly
codegen_flags: <defaults>
</compile_context>

<pallas_src>
import functools

import jax
import jax.numpy as jnp
from jax import lax
from jax.experimental import pallas as pl
from jax.experimental.pallas import tpu as pltpu
from jax.experimental.pallas import tpu_sc as plsc

N = 10000
E = 160000
D = 256
H = 64
C = 64

NC = 2
NS = 16
CHUNK = 128
E_PAD = 163840
N_PAD = 10240
CHUNKS_PER_TILE = (E_PAD // CHUNK) // (NC * NS)
ROWS_PER_TILE = N_PAD // NS

_MESH = dict(core_axis_name="c", subcore_axis_name="s")


def _sc_degree(dst2d, zeros_n):
    mesh = plsc.VectorSubcoreMesh(**_MESH)

    @functools.partial(
        pl.kernel,
        out_type=jax.ShapeDtypeStruct((NC, N_PAD), jnp.float32),
        mesh=mesh,
        compiler_params=pltpu.CompilerParams(use_tc_tiling_on_sc=False),
        scratch_types=[
            pltpu.VMEM((CHUNKS_PER_TILE, CHUNK), jnp.int32),
            pltpu.VMEM((CHUNK,), jnp.float32),
            pltpu.VMEM_SHARED((N_PAD,), jnp.float32),
        ],
    )
    def deg_kernel(dst_hbm, zeros_hbm, out_hbm, idx_v, ones_v, acc_sh):
        cid = lax.axis_index("c")
        sid = lax.axis_index("s")
        wid = cid * NS + sid
        pltpu.sync_copy(dst_hbm.at[:, wid], idx_v)

        @pl.loop(0, CHUNK, step=16)
        def _(i):
            ones_v[pl.ds(i, 16)] = jnp.ones((16,), jnp.float32)

        r0 = sid * ROWS_PER_TILE
        pltpu.sync_copy(zeros_hbm, acc_sh.at[pl.ds(r0, ROWS_PER_TILE)])
        plsc.subcore_barrier()

        @pl.loop(0, CHUNKS_PER_TILE)
        def _(j):
            pltpu.sync_copy(ones_v, acc_sh.at[idx_v.at[j]], add=True)

        plsc.subcore_barrier()
        pltpu.sync_copy(acc_sh.at[pl.ds(r0, ROWS_PER_TILE)],
                        out_hbm.at[cid, pl.ds(r0, ROWS_PER_TILE)])

    return deg_kernel(dst2d, zeros_n)


def _sc_aggregate(g, src2d, dst2d, zeros_rows):
    mesh = plsc.VectorSubcoreMesh(**_MESH)

    @functools.partial(
        pl.kernel,
        out_type=jax.ShapeDtypeStruct((NC, N_PAD, H), jnp.float32),
        mesh=mesh,
        compiler_params=pltpu.CompilerParams(use_tc_tiling_on_sc=False),
        scratch_types=[
            pltpu.VMEM((CHUNKS_PER_TILE, CHUNK), jnp.int32),
            pltpu.VMEM((CHUNKS_PER_TILE, CHUNK), jnp.int32),
            pltpu.VMEM((CHUNK, H), jnp.float32),
            pltpu.VMEM((CHUNK, H), jnp.float32),
            pltpu.VMEM((CHUNK, H), jnp.float32),
            pltpu.VMEM((CHUNK, H), jnp.float32),
            pltpu.VMEM_SHARED((N_PAD, H), jnp.float32),
            pltpu.SemaphoreType.DMA,
            pltpu.SemaphoreType.DMA,
            pltpu.SemaphoreType.DMA,
            pltpu.SemaphoreType.DMA,
        ],
    )
    def agg_kernel(g_hbm, src_hbm, dst_hbm, zeros_hbm, out_hbm,
                   src_v, dst_v, rows_a, rows_b, rows_c, rows_d,
                   acc_sh, sem_a, sem_b, sem_c, sem_d):
        cid = lax.axis_index("c")
        sid = lax.axis_index("s")
        wid = cid * NS + sid
        pltpu.sync_copy(src_hbm.at[:, wid], src_v)
        pltpu.sync_copy(dst_hbm.at[:, wid], dst_v)

        r0 = sid * ROWS_PER_TILE
        pltpu.sync_copy(zeros_hbm, rows_a)

        @pl.loop(0, ROWS_PER_TILE, step=CHUNK)
        def _(k):
            pltpu.sync_copy(rows_a, acc_sh.at[pl.ds(r0 + k, CHUNK)])

        plsc.subcore_barrier()

        bufs = (rows_a, rows_b, rows_c, rows_d)
        sems = (sem_a, sem_b, sem_c, sem_d)
        pltpu.async_copy(g_hbm.at[src_v.at[0]], rows_a, sem_a)
        pltpu.async_copy(g_hbm.at[src_v.at[1]], rows_b, sem_b)
        pltpu.async_copy(g_hbm.at[src_v.at[2]], rows_c, sem_c)

        @pl.loop(0, CHUNKS_PER_TILE, step=4)
        def _(j):
            for k in range(4):
                nxt = j + k + 3
                if k == 0:
                    pltpu.async_copy(g_hbm.at[src_v.at[nxt]], bufs[3], sems[3])
                else:
                    @pl.when(nxt < CHUNKS_PER_TILE)
                    def _():
                        pltpu.async_copy(
                            g_hbm.at[src_v.at[nxt]], bufs[k - 1], sems[k - 1])
                pltpu.make_async_copy(
                    g_hbm.at[src_v.at[j + k]], bufs[k], sems[k]).wait()
                pltpu.sync_copy(bufs[k], acc_sh.at[dst_v.at[j + k]], add=True)

        plsc.subcore_barrier()
        pltpu.sync_copy(acc_sh.at[pl.ds(r0, ROWS_PER_TILE)],
                        out_hbm.at[cid, pl.ds(r0, ROWS_PER_TILE)])

    return agg_kernel(g, src2d, dst2d, zeros_rows)


_BM = 2000


def _dot(a, b):
    ah = a.astype(jnp.bfloat16)
    al = (a - ah.astype(jnp.float32)).astype(jnp.bfloat16)
    bh = b.astype(jnp.bfloat16)
    bl = (b - bh.astype(jnp.float32)).astype(jnp.bfloat16)

    def d(p, q):
        return lax.dot_general(p, q, (((1,), (0,)), ((), ())),
                               preferred_element_type=jnp.float32)

    return d(ah, bh) + d(al, bh) + d(ah, bl)


def _dinv_lo_hi(dlo_ref, dhi_ref):
    lo = lax.rsqrt(dlo_ref[:, 0:1] + dlo_ref[:, 1:2] + 1.0)
    hi = lax.rsqrt(dhi_ref[:, 0:1] + dhi_ref[:, 1:2] + 1.0)
    return lo, hi


def _dinvp_of(dlo_ref, dhi_ref):
    lo, hi = _dinv_lo_hi(dlo_ref, dhi_ref)
    return jnp.concatenate(
        [jnp.broadcast_to(lo, (_PB, H)), jnp.broadcast_to(hi, (_PB, H))],
        axis=1)


_NB = N // _BM
_PB = _BM // 2
_DEG_LO = pl.BlockSpec((_PB, 2), lambda i: (i, 0))
_DEG_HI = pl.BlockSpec((_PB, 2), lambda i: (i + _NB, 0))
_PK_SPEC = pl.BlockSpec((_PB, 2 * H), lambda i: (i, 0))
_APK_SPEC = pl.BlockSpec((2, _PB, 2 * H), lambda i: (0, i, 0))


def _tc_g0(x, w0, degp):

    def body(xlo_ref, xhi_ref, w_ref, dlo_ref, dhi_ref, o_ref):
        lo, hi = _dinv_lo_hi(dlo_ref, dhi_ref)
        w = w_ref[...]
        o_ref[...] = jnp.concatenate(
            [_dot(xlo_ref[...], w) * lo, _dot(xhi_ref[...], w) * hi], axis=1)

    return pl.pallas_call(
        body,
        grid=(_NB,),
        in_specs=[pl.BlockSpec((_PB, D), lambda i: (i, 0)),
                  pl.BlockSpec((_PB, D), lambda i: (i + _NB, 0)),
                  pl.BlockSpec((D, H), lambda i: (0, 0)),
                  _DEG_LO, _DEG_HI],
        out_specs=_PK_SPEC,
        out_shape=jax.ShapeDtypeStruct((N // 2, 2 * H), jnp.float32),
    )(x, x, w0, degp, degp)


def _tc_mid(aggp, g0p, degp, b0b, w1b):

    def body(a_ref, g_ref, dlo_ref, dhi_ref, b_ref, w_ref, o_ref):
        dinvp = _dinvp_of(dlo_ref, dhi_ref)
        s = (a_ref[0] + a_ref[1] + g_ref[...]) * dinvp + b_ref[...]
        o_ref[...] = _dot(jnp.maximum(s, 0.0), w_ref[...]) * dinvp

    return pl.pallas_call(
        body,
        grid=(_NB,),
        in_specs=[_APK_SPEC, _PK_SPEC, _DEG_LO, _DEG_HI,
                  pl.BlockSpec((1, 2 * H), lambda i: (0, 0)),
                  pl.BlockSpec((2 * H, 2 * H), lambda i: (0, 0))],
        out_specs=_PK_SPEC,
        out_shape=jax.ShapeDtypeStruct((N // 2, 2 * H), jnp.float32),
    )(aggp, g0p, degp, degp, b0b, w1b)


def _tc_final(aggp, g1p, degp, b1):

    def body(a_ref, g_ref, d_ref, b_ref, o_ref):
        sp = a_ref[0] + a_ref[1] + g_ref[...]
        half = jnp.where(pl.program_id(0) < _NB,
                         sp[:, 0:H], sp[:, H:2 * H])
        dinv = lax.rsqrt(d_ref[:, 0:1] + d_ref[:, 1:2] + 1.0)
        o_ref[...] = half * dinv + b_ref[...]

    return pl.pallas_call(
        body,
        grid=(2 * _NB,),
        in_specs=[pl.BlockSpec((2, _PB, 2 * H), lambda j: (0, j % _NB, 0)),
                  pl.BlockSpec((_PB, 2 * H), lambda j: (j % _NB, 0)),
                  pl.BlockSpec((_PB, 2), lambda j: (j, 0)),
                  pl.BlockSpec((1, C), lambda j: (0, 0))],
        out_specs=pl.BlockSpec((_PB, C), lambda j: (j, 0)),
        out_shape=jax.ShapeDtypeStruct((N, C), jnp.float32),
    )(aggp, g1p, degp, b1)


def kernel(x, edge_index, W0, b0, W1, b1):
    src = edge_index[0].astype(jnp.int32)
    dst = edge_index[1].astype(jnp.int32)
    npad = E_PAD - E
    pad_ix = jnp.arange(npad, dtype=jnp.int32)
    half = N // 2

    def chunked(idx):
        return idx.reshape(CHUNKS_PER_TILE, NC * NS, CHUNK)

    def perm(idx):
        return 2 * (idx % half) + idx // half

    dst2d = chunked(jnp.concatenate([dst, N + pad_ix % (N_PAD - N)]))
    srcp2d = chunked(perm(jnp.concatenate([src, pad_ix % N])))
    dstp2d = chunked(jnp.concatenate([perm(dst), N + pad_ix % (N_PAD - N)]))
    zeros_rows = jnp.zeros((CHUNK, H), jnp.float32)
    zeros_n = jnp.zeros((ROWS_PER_TILE,), jnp.float32)
    b0b = jnp.concatenate([b0, b0]).reshape(1, 2 * H)
    w1b = jnp.zeros((2 * H, 2 * H), jnp.float32)
    w1b = w1b.at[:H, :C].set(W1).at[H:, C:].set(W1)

    degp = _sc_degree(dst2d, zeros_n)[:, :N].T
    g0p = _tc_g0(x, W0, degp)
    agg0 = _sc_aggregate(g0p.reshape(N, H), srcp2d, dstp2d, zeros_rows)
    g1p = _tc_mid(agg0.reshape(NC, N_PAD // 2, 2 * H), g0p, degp, b0b, w1b)
    agg1 = _sc_aggregate(g1p.reshape(N, H), srcp2d, dstp2d, zeros_rows)
    return _tc_final(agg1.reshape(NC, N_PAD // 2, 2 * H), g1p, degp,
                     b1.reshape(1, C))

# --- scband reference (transcript-rebuilt; emitter-appended) ---
"""Pipeline reference for scband-gcn-42125039239957 (READ-ONLY COPY).

The authoritative reference and input builder live on the scoring server;
editing this copy changes nothing except your own understanding.
"""

import jax, jax.numpy as jnp
import numpy as np

N = 10000
E = 160000
D = 256
H = 64
C = 64


def _gcn_layer(x, edge_index, W, b, n_nodes):
    # PyG GCNConv with default settings: add self-loops, symmetric normalization,
    # linear transform (no bias in lin), scatter-add aggregation, then bias.
    src = edge_index[0]
    dst = edge_index[1]
    loop = jnp.arange(n_nodes, dtype=src.dtype)
    src = jnp.concatenate([src, loop])
    dst = jnp.concatenate([dst, loop])
    w = jnp.ones(src.shape[0], dtype=x.dtype)
    deg = jax.ops.segment_sum(w, dst, num_segments=n_nodes)
    dinv = jnp.where(deg > 0, jax.lax.rsqrt(deg), 0.0)
    norm = dinv[src] * w * dinv[dst]
    h = x @ W
    msg = h[src] * norm[:, None]
    out = jax.ops.segment_sum(msg, dst, num_segments=n_nodes)
    return out + b


def setup_inputs(seed: int = 0) -> dict:
    key = jax.random.key(seed)
    k1, k2, k3, k4, k5, k6 = jax.random.split(key, 6)
    x = jax.random.normal(k1, (N, D), dtype=jnp.float32)
    edge_index = jax.random.randint(k2, (2, E), 0, N, dtype=jnp.int32)
    # learned parameters (glorot-ish scale)
    W0 = jax.random.normal(k3, (D, H), dtype=jnp.float32) * (1.0 / np.sqrt(D))
    b0 = jnp.zeros((H,), dtype=jnp.float32)
    W1 = jax.random.normal(k4, (H, C), dtype=jnp.float32) * (1.0 / np.sqrt(H))
    b1 = jnp.zeros((C,), dtype=jnp.float32)
    return {"x": x, "edge_index": edge_index, "W0": W0, "b0": b0, "W1": W1, "b1": b1}


def reference(x, edge_index, W0, b0, W1, b1):
    # Layer 0: GCNConv(256 -> 64) + ReLU + Dropout (eval mode -> identity)
    h = _gcn_layer(x, edge_index, W0, b0, N)
    h = jax.nn.relu(h)
    # Layer 1: GCNConv(64 -> 64) + Identity (do_omit_softmax=False -> nn.Identity)
    out = _gcn_layer(h, edge_index, W1, b1, N)
    return out

if __name__ == "__main__":
    import jax
    _d = setup_inputs()
    print(jax.jit(kernel)(*tuple(_d.values())))

</pallas_src>

<mosaic_0001>
#map = affine_map<(d0, d1) -> (0, 0, 0)>
#map1 = affine_map<(d0, d1) -> (0)>
#map2 = affine_map<(d0, d1) -> (0, 0)>
module attributes {stable_mosaic.version = 14 : i64} {
  func.func @deg_kernel(%arg0: i32, %arg1: i32, %arg2: memref<40x32x128xi32, #tpu.memory_space<hbm>>, %arg3: memref<640xf32, #tpu.memory_space<hbm>>, %arg4: memref<2x10240xf32, #tpu.memory_space<hbm>>, %arg5: memref<40x128xi32, #tpu.memory_space<vmem>>, %arg6: memref<128xf32, #tpu.memory_space<vmem>>, %arg7: memref<10240xf32, #tpu.memory_space<vmem_shared>>) attributes {dimension_semantics = [#tpu.dimension_semantics<core_parallel>, #tpu.dimension_semantics<subcore_parallel>], iteration_bounds = array<i64: 2, 16>, scalar_prefetch = 0 : i64, scratch_operands = 3 : i64, tpu.core_type = #tpu.core_type<sc_vector_subcore>, window_params = [{transform_indices = #map}, {transform_indices = #map1}, {transform_indices = #map2}]} {
    %mul3A = arith.constant 16 : i32
    %mul3A_0 = arith.muli %arg0, %mul3A : i32
    %add3A = arith.addi %mul3A_0, %arg1 : i32
    "tpu.region"() ({
      %run_scoped3A = tpu.sem_alloc : memref<!tpu.dma_semaphore, #tpu.memory_space<semaphore_mem>>
      %dma_start3A = arith.constant 0 : i32
      %dma_start3A_13 = arith.constant 0 : i32
      %dma_start3A_14 = tpu.memref_slice %arg2[%dma_start3A, %add3A, %dma_start3A_13] : memref<40x32x128xi32, #tpu.memory_space<hbm>> -> memref<40x1x128xi32, #tpu.memory_space<hbm>>
      %dma_start3A_15 = tpu.memref_squeeze %dma_start3A_14 : memref<40x1x128xi32, #tpu.memory_space<hbm>> -> memref<40x128xi32, #tpu.memory_space<hbm>>
      %dma_start3A_16 = arith.constant 0 : i32
      %dma_start3A_17 = arith.constant 0 : i32
      %dma_start3A_18 = tpu.memref_slice %arg2[%dma_start3A_16, %add3A, %dma_start3A_17] : memref<40x32x128xi32, #tpu.memory_space<hbm>> -> memref<40x1x128xi32, #tpu.memory_space<hbm>>
      %dma_start3A_19 = tpu.memref_squeeze %dma_start3A_18 : memref<40x1x128xi32, #tpu.memory_space<hbm>> -> memref<40x128xi32, #tpu.memory_space<hbm>>
      tpu.enqueue_dma source(%dma_start3A_19 : memref<40x128xi32, #tpu.memory_space<hbm>>) target(%arg5 : memref<40x128xi32, #tpu.memory_space<vmem>>) target_semaphore(%run_scoped3A : memref<!tpu.dma_semaphore, #tpu.memory_space<semaphore_mem>>)
      %dma_wait3A = arith.constant 0 : i32
      %dma_wait3A_20 = arith.constant 0 : i32
      %dma_wait3A_21 = tpu.memref_slice %arg2[%dma_wait3A, %add3A, %dma_wait3A_20] : memref<40x32x128xi32, #tpu.memory_space<hbm>> -> memref<40x1x128xi32, #tpu.memory_space<hbm>>
      %dma_wait3A_22 = tpu.memref_squeeze %dma_wait3A_21 : memref<40x1x128xi32, #tpu.memory_space<hbm>> -> memref<40x128xi32, #tpu.memory_space<hbm>>
      %dma_wait3A_23 = arith.constant 0 : i32
      %dma_wait3A_24 = arith.constant 0 : i32
      %dma_wait3A_25 = tpu.memref_slice %arg2[%dma_wait3A_23, %add3A, %dma_wait3A_24] : memref<40x32x128xi32, #tpu.memory_space<hbm>> -> memref<40x1x128xi32, #tpu.memory_space<hbm>>
      %dma_wait3A_26 = tpu.memref_squeeze %dma_wait3A_25 : memref<40x1x128xi32, #tpu.memory_space<hbm>> -> memref<40x128xi32, #tpu.memory_space<hbm>>
      tpu.wait_dma2 semaphore(%run_scoped3A : memref<!tpu.dma_semaphore, #tpu.memory_space<semaphore_mem>>) src(%dma_wait3A_26 : memref<40x128xi32, #tpu.memory_space<hbm>>) dst(%arg5 : memref<40x128xi32, #tpu.memory_space<vmem>>)
      tpu.yield
    }) : () -> ()
    %scan3A = arith.constant 0 : i32
    %scan3A_1 = arith.constant 8 : i32
    %scan3A_2 = arith.addi %scan3A, %scan3A_1 : i32
    %scan3A_3 = arith.constant 1 : i32
    scf.for %scan3A_13 = %scan3A to %scan3A_2 step %scan3A_3  : i32 {
      %mul3A_14 = arith.constant 16 : i32
      %mul3A_15 = arith.muli %scan3A_13, %mul3A_14 : i32
      %add3A_16 = arith.constant 0 : i32
      %add3A_17 = arith.addi %add3A_16, %mul3A_15 : i32
      %broadcast_in_dim3A = arith.constant 1.000000e+00 : f32
      %broadcast_in_dim3A_18 = vector.broadcast %broadcast_in_dim3A : f32 to vector<16xf32>
      %swap3A = arith.index_cast %add3A_17 : i32 to index
      %swap3A_19 = tpu.vector_load %arg6[%swap3A] {strides = array<i32>} : memref<128xf32, #tpu.memory_space<vmem>>, vector<16xf32>,
      %swap3A_20 = vector.shape_cast %swap3A_19 : vector<16xf32> to vector<16xf32>
      %swap3A_21 = vector.shape_cast %broadcast_in_dim3A_18 : vector<16xf32> to vector<16xf32>
      tpu.vector_store %arg6[%swap3A], %swap3A_21 {strides = array<i32>} : memref<128xf32, #tpu.memory_space<vmem>>, vector<16xf32>,
    }
    %scan3A_4 = arith.constant 8 : i32
    %mul3A_5 = arith.constant 640 : i32
    %mul3A_6 = arith.muli %arg1, %mul3A_5 : i32
    "tpu.region"() ({
      %run_scoped3A = tpu.sem_alloc : memref<!tpu.dma_semaphore, #tpu.memory_space<semaphore_mem>>
      %dma_start3A = tpu.memref_slice %arg7[%mul3A_6] : memref<10240xf32, #tpu.memory_space<vmem_shared>> -> memref<640xf32, #tpu.memory_space<vmem_shared>>
      tpu.enqueue_dma source(%arg3 : memref<640xf32, #tpu.memory_space<hbm>>) target(%dma_start3A : memref<640xf32, #tpu.memory_space<vmem_shared>>) target_semaphore(%run_scoped3A : memref<!tpu.dma_semaphore, #tpu.memory_space<semaphore_mem>>)
      %dma_wait3A = tpu.memref_slice %arg7[%mul3A_6] : memref<10240xf32, #tpu.memory_space<vmem_shared>> -> memref<640xf32, #tpu.memory_space<vmem_shared>>
      tpu.wait_dma2 semaphore(%run_scoped3A : memref<!tpu.dma_semaphore, #tpu.memory_space<semaphore_mem>>) src(%arg3 : memref<640xf32, #tpu.memory_space<hbm>>) dst(%dma_wait3A : memref<640xf32, #tpu.memory_space<vmem_shared>>)
      tpu.yield
    }) : () -> ()
    %barrier3A = arith.constant 0 : index
    tpu.barrier barrier_id(%barrier3A)
    %scan3A_7 = arith.constant 0 : i32
    %scan3A_8 = arith.constant 40 : i32
    %scan3A_9 = arith.addi %scan3A_7, %scan3A_8 : i32
    %scan3A_10 = arith.constant 1 : i32
    scf.for %scan3A_13 = %scan3A_7 to %scan3A_9 step %scan3A_10  : i32 {
      %mul3A_14 = arith.constant 1 : i32
      %mul3A_15 = arith.muli %scan3A_13, %mul3A_14 : i32
      %add3A_16 = arith.constant 0 : i32
      %add3A_17 = arith.addi %add3A_16, %mul3A_15 : i32
      "tpu.region"() ({
        %run_scoped3A = tpu.sem_alloc : memref<!tpu.dma_semaphore, #tpu.memory_space<semaphore_mem>>
        %dma_start3A = arith.constant 0 : i32
        %dma_start3A_18 = tpu.memref_slice %arg5[%add3A_17, %dma_start3A] : memref<40x128xi32, #tpu.memory_space<vmem>> -> memref<1x128xi32, #tpu.memory_space<vmem>>
        %dma_start3A_19 = tpu.memref_squeeze %dma_start3A_18 : memref<1x128xi32, #tpu.memory_space<vmem>> -> memref<128xi32, #tpu.memory_space<vmem>>
        %dma_start3A_20 = arith.constant 0 : i32
        %dma_start3A_21 = tpu.memref_slice %arg7[%dma_start3A_20] : memref<10240xf32, #tpu.memory_space<vmem_shared>> -> memref<10240xf32, #tpu.memory_space<vmem_shared>>
        tpu.enqueue_indirect_dma source(%arg6 : memref<128xf32, #tpu.memory_space<vmem>>) target(%dma_start3A_21 : memref<10240xf32, #tpu.memory_space<vmem_shared>>) offsets(%dma_start3A_19 : memref<128xi32, #tpu.memory_space<vmem>>) semaphore(%run_scoped3A : memref<!tpu.dma_semaphore, #tpu.memory_space<semaphore_mem>>) {add = true}
        %dma_wait3A = arith.constant 0 : i32
        %dma_wait3A_22 = tpu.memref_slice %arg5[%add3A_17, %dma_wait3A] : memref<40x128xi32, #tpu.memory_space<vmem>> -> memref<1x128xi32, #tpu.memory_space<vmem>>
        %dma_wait3A_23 = tpu.memref_squeeze %dma_wait3A_22 : memref<1x128xi32, #tpu.memory_space<vmem>> -> memref<128xi32, #tpu.memory_space<vmem>>
        %dma_wait3A_24 = arith.constant 0 : i32
        %dma_wait3A_25 = tpu.memref_slice %arg7[%dma_wait3A_24] : memref<10240xf32, #tpu.memory_space<vmem_shared>> -> memref<10240xf32, #tpu.memory_space<vmem_shared>>
        tpu.wait_indirect_dma semaphore(%run_scoped3A : memref<!tpu.dma_semaphore, #tpu.memory_space<semaphore_mem>>) src(%arg6 : memref<128xf32, #tpu.memory_space<vmem>>) dst(%dma_wait3A_25 : memref<10240xf32, #tpu.memory_space<vmem_shared>>)
        tpu.yield
      }) : () -> ()
    }
    %scan3A_11 = arith.constant 40 : i32
    %barrier3A_12 = arith.constant 0 : index
    tpu.barrier barrier_id(%barrier3A_12)
    "tpu.region"() ({
      %run_scoped3A = tpu.sem_alloc : memref<!tpu.dma_semaphore, #tpu.memory_space<semaphore_mem>>
      %dma_start3A = tpu.memref_slice %arg4[%arg0, %mul3A_6] : memref<2x10240xf32, #tpu.memory_space<hbm>> -> memref<1x640xf32, #tpu.memory_space<hbm>>
      %dma_start3A_13 = tpu.memref_squeeze %dma_start3A : memref<1x640xf32, #tpu.memory_space<hbm>> -> memref<640xf32, #tpu.memory_space<hbm>>
      %dma_start3A_14 = tpu.memref_slice %arg7[%mul3A_6] : memref<10240xf32, #tpu.memory_space<vmem_shared>> -> memref<640xf32, #tpu.memory_space<vmem_shared>>
      tpu.enqueue_dma source(%dma_start3A_14 : memref<640xf32, #tpu.memory_space<vmem_shared>>) target(%dma_start3A_13 : memref<640xf32, #tpu.memory_space<hbm>>) target_semaphore(%run_scoped3A : memref<!tpu.dma_semaphore, #tpu.memory_space<semaphore_mem>>)
      %dma_wait3A = tpu.memref_slice %arg4[%arg0, %mul3A_6] : memref<2x10240xf32, #tpu.memory_space<hbm>> -> memref<1x640xf32, #tpu.memory_space<hbm>>
      %dma_wait3A_15 = tpu.memref_squeeze %dma_wait3A : memref<1x640xf32, #tpu.memory_space<hbm>> -> memref<640xf32, #tpu.memory_space<hbm>>
      %dma_wait3A_16 = tpu.memref_slice %arg7[%mul3A_6] : memref<10240xf32, #tpu.memory_space<vmem_shared>> -> memref<640xf32, #tpu.memory_space<vmem_shared>>
      tpu.wait_dma2 semaphore(%run_scoped3A : memref<!tpu.dma_semaphore, #tpu.memory_space<semaphore_mem>>) src(%dma_wait3A_16 : memref<640xf32, #tpu.memory_space<vmem_shared>>) dst(%dma_wait3A_15 : memref<640xf32, #tpu.memory_space<hbm>>)
      tpu.yield
    }) : () -> ()
    return
  }
}

#map = affine_map<(d0, d1) -> (0, 0)>
#map1 = affine_map<(d0, d1) -> (0, 0, 0)>
module attributes {stable_mosaic.version = 14 : i64} {
  func.func @agg_kernel(%arg0: i32, %arg1: i32, %arg2: memref<10000x64xf32, #tpu.memory_space<hbm>>, %arg3: memref<40x32x128xi32, #tpu.memory_space<hbm>>, %arg4: memref<40x32x128xi32, #tpu.memory_space<hbm>>, %arg5: memref<128x64xf32, #tpu.memory_space<hbm>>, %arg6: memref<2x10240x64xf32, #tpu.memory_space<hbm>>, %arg7: memref<40x128xi32, #tpu.memory_space<vmem>>, %arg8: memref<40x128xi32, #tpu.memory_space<vmem>>, %arg9: memref<128x64xf32, #tpu.memory_space<vmem>>, %arg10: memref<128x64xf32, #tpu.memory_space<vmem>>, %arg11: memref<128x64xf32, #tpu.memory_space<vmem>>, %arg12: memref<128x64xf32, #tpu.memory_space<vmem>>, %arg13: memref<10240x64xf32, #tpu.memory_space<vmem_shared>>, %arg14: memref<!tpu.dma_semaphore, #tpu.memory_space<semaphore_mem>>, %arg15: memref<!tpu.dma_semaphore, #tpu.memory_space<semaphore_mem>>, %arg16: memref<!tpu.dma_semaphore, #tpu.memory_space<semaphore_mem>>, %arg17: memref<!tpu.dma_semaphore, #tpu.memory_space<semaphore_mem>>) attributes {dimension_semantics = [#tpu.dimension_semantics<core_parallel>, #tpu.dimension_semantics<subcore_parallel>], iteration_bounds = array<i64: 2, 16>, scalar_prefetch = 0 : i64, scratch_operands = 11 : i64, tpu.core_type = #tpu.core_type<sc_vector_subcore>, window_params = [{transform_indices = #map}, {transform_indices = #map1}, {transform_indices = #map1}, {transform_indices = #map}, {transform_indices = #map1}]} {
    %mul3A = arith.constant 16 : i32
    %mul3A_0 = arith.muli %arg0, %mul3A : i32
    %add3A = arith.addi %mul3A_0, %arg1 : i32
    "tpu.region"() ({
      %run_scoped3A = tpu.sem_alloc : memref<!tpu.dma_semaphore, #tpu.memory_space<semaphore_mem>>
      %dma_start3A_33 = arith.constant 0 : i32
      %dma_start3A_34 = arith.constant 0 : i32
      %dma_start3A_35 = tpu.memref_slice %arg3[%dma_start3A_33, %add3A, %dma_start3A_34] : memref<40x32x128xi32, #tpu.memory_space<hbm>> -> memref<40x1x128xi32, #tpu.memory_space<hbm>>
      %dma_start3A_36 = tpu.memref_squeeze %dma_start3A_35 : memref<40x1x128xi32, #tpu.memory_space<hbm>> -> memref<40x128xi32, #tpu.memory_space<hbm>>
      %dma_start3A_37 = arith.constant 0 : i32
      %dma_start3A_38 = arith.constant 0 : i32
      %dma_start3A_39 = tpu.memref_slice %arg3[%dma_start3A_37, %add3A, %dma_start3A_38] : memref<40x32x128xi32, #tpu.memory_space<hbm>> -> memref<40x1x128xi32, #tpu.memory_space<hbm>>
      %dma_start3A_40 = tpu.memref_squeeze %dma_start3A_39 : memref<40x1x128xi32, #tpu.memory_space<hbm>> -> memref<40x128xi32, #tpu.memory_space<hbm>>
      tpu.enqueue_dma source(%dma_start3A_40 : memref<40x128xi32, #tpu.memory_space<hbm>>) target(%arg7 : memref<40x128xi32, #tpu.memory_space<vmem>>) target_semaphore(%run_scoped3A : memref<!tpu.dma_semaphore, #tpu.memory_space<semaphore_mem>>)
      %dma_wait3A = arith.constant 0 : i32
      %dma_wait3A_41 = arith.constant 0 : i32
      %dma_wait3A_42 = tpu.memref_slice %arg3[%dma_wait3A, %add3A, %dma_wait3A_41] : memref<40x32x128xi32, #tpu.memory_space<hbm>> -> memref<40x1x128xi32, #tpu.memory_space<hbm>>
      %dma_wait3A_43 = tpu.memref_squeeze %dma_wait3A_42 : memref<40x1x128xi32, #tpu.memory_space<hbm>> -> memref<40x128xi32, #tpu.memory_space<hbm>>
      %dma_wait3A_44 = arith.constant 0 : i32
      %dma_wait3A_45 = arith.constant 0 : i32
      %dma_wait3A_46 = tpu.memref_slice %arg3[%dma_wait3A_44, %add3A, %dma_wait3A_45] : memref<40x32x128xi32, #tpu.memory_space<hbm>> -> memref<40x1x128xi32, #tpu.memory_space<hbm>>
      %dma_wait3A_47 = tpu.memref_squeeze %dma_wait3A_46 : memref<40x1x128xi32, #tpu.memory_space<hbm>> -> memref<40x128xi32, #tpu.memory_space<hbm>>
      tpu.wait_dma2 semaphore(%run_scoped3A : memref<!tpu.dma_semaphore, #tpu.memory_space<semaphore_mem>>) src(%dma_wait3A_47 : memref<40x128xi32, #tpu.memory_space<hbm>>) dst(%arg7 : memref<40x128xi32, #tpu.memory_space<vmem>>)
      tpu.yield
    }) : () -> ()
    "tpu.region"() ({
      %run_scoped3A = tpu.sem_alloc : memref<!tpu.dma_semaphore, #tpu.memory_space<semaphore_mem>>
      %dma_start3A_33 = arith.constant 0 : i32
      %dma_start3A_34 = arith.constant 0 : i32
      %dma_start3A_35 = tpu.memref_slice %arg4[%dma_start3A_33, %add3A, %dma_start3A_34] : memref<40x32x128xi32, #tpu.memory_space<hbm>> -> memref<40x1x128xi32, #tpu.memory_space<hbm>>
      %dma_start3A_36 = tpu.memref_squeeze %dma_start3A_35 : memref<40x1x128xi32, #tpu.memory_space<hbm>> -> memref<40x128xi32, #tpu.memory_space<hbm>>
      %dma_start3A_37 = arith.constant 0 : i32
      %dma_start3A_38 = arith.constant 0 : i32
      %dma_start3A_39 = tpu.memref_slice %arg4[%dma_start3A_37, %add3A, %dma_start3A_38] : memref<40x32x128xi32, #tpu.memory_space<hbm>> -> memref<40x1x128xi32, #tpu.memory_space<hbm>>
      %dma_start3A_40 = tpu.memref_squeeze %dma_start3A_39 : memref<40x1x128xi32, #tpu.memory_space<hbm>> -> memref<40x128xi32, #tpu.memory_space<hbm>>
      tpu.enqueue_dma source(%dma_start3A_40 : memref<40x128xi32, #tpu.memory_space<hbm>>) target(%arg8 : memref<40x128xi32, #tpu.memory_space<vmem>>) target_semaphore(%run_scoped3A : memref<!tpu.dma_semaphore, #tpu.memory_space<semaphore_mem>>)
      %dma_wait3A = arith.constant 0 : i32
      %dma_wait3A_41 = arith.constant 0 : i32
      %dma_wait3A_42 = tpu.memref_slice %arg4[%dma_wait3A, %add3A, %dma_wait3A_41] : memref<40x32x128xi32, #tpu.memory_space<hbm>> -> memref<40x1x128xi32, #tpu.memory_space<hbm>>
      %dma_wait3A_43 = tpu.memref_squeeze %dma_wait3A_42 : memref<40x1x128xi32, #tpu.memory_space<hbm>> -> memref<40x128xi32, #tpu.memory_space<hbm>>
      %dma_wait3A_44 = arith.constant 0 : i32
      %dma_wait3A_45 = arith.constant 0 : i32
      %dma_wait3A_46 = tpu.memref_slice %arg4[%dma_wait3A_44, %add3A, %dma_wait3A_45] : memref<40x32x128xi32, #tpu.memory_space<hbm>> -> memref<40x1x128xi32, #tpu.memory_space<hbm>>
      %dma_wait3A_47 = tpu.memref_squeeze %dma_wait3A_46 : memref<40x1x128xi32, #tpu.memory_space<hbm>> -> memref<40x128xi32, #tpu.memory_space<hbm>>
      tpu.wait_dma2 semaphore(%run_scoped3A : memref<!tpu.dma_semaphore, #tpu.memory_space<semaphore_mem>>) src(%dma_wait3A_47 : memref<40x128xi32, #tpu.memory_space<hbm>>) dst(%arg8 : memref<40x128xi32, #tpu.memory_space<vmem>>)
      tpu.yield
    }) : () -> ()
    %mul3A_1 = arith.constant 640 : i32
    %mul3A_2 = arith.muli %arg1, %mul3A_1 : i32
    "tpu.region"() ({
      %run_scoped3A = tpu.sem_alloc : memref<!tpu.dma_semaphore, #tpu.memory_space<semaphore_mem>>
      tpu.enqueue_dma source(%arg5 : memref<128x64xf32, #tpu.memory_space<hbm>>) target(%arg9 : memref<128x64xf32, #tpu.memory_space<vmem>>) target_semaphore(%run_scoped3A : memref<!tpu.dma_semaphore, #tpu.memory_space<semaphore_mem>>)
      tpu.wait_dma2 semaphore(%run_scoped3A : memref<!tpu.dma_semaphore, #tpu.memory_space<semaphore_mem>>) src(%arg5 : memref<128x64xf32, #tpu.memory_space<hbm>>) dst(%arg9 : memref<128x64xf32, #tpu.memory_space<vmem>>)
      tpu.yield
    }) : () -> ()
    %scan3A = arith.constant 0 : i32
    %scan3A_3 = arith.constant 5 : i32
    %scan3A_4 = arith.addi %scan3A, %scan3A_3 : i32
    %scan3A_5 = arith.constant 1 : i32
    scf.for %scan3A_33 = %scan3A to %scan3A_4 step %scan3A_5  : i32 {
      %mul3A_34 = arith.constant 128 : i32
      %mul3A_35 = arith.muli %scan3A_33, %mul3A_34 : i32
      %add3A_36 = arith.constant 0 : i32
      %add3A_37 = arith.addi %add3A_36, %mul3A_35 : i32
      %add3A_38 = arith.addi %mul3A_2, %add3A_37 : i32
      "tpu.region"() ({
        %run_scoped3A = tpu.sem_alloc : memref<!tpu.dma_semaphore, #tpu.memory_space<semaphore_mem>>
        %dma_start3A_39 = arith.constant 0 : i32
        %dma_start3A_40 = tpu.memref_slice %arg13[%add3A_38, %dma_start3A_39] : memref<10240x64xf32, #tpu.memory_space<vmem_shared>> -> memref<128x64xf32, #tpu.memory_space<vmem_shared>>
        %dma_start3A_41 = arith.constant 0 : i32
        %dma_start3A_42 = tpu.memref_slice %arg13[%add3A_38, %dma_start3A_41] : memref<10240x64xf32, #tpu.memory_space<vmem_shared>> -> memref<128x64xf32, #tpu.memory_space<vmem_shared>>
        tpu.enqueue_dma source(%arg9 : memref<128x64xf32, #tpu.memory_space<vmem>>) target(%dma_start3A_42 : memref<128x64xf32, #tpu.memory_space<vmem_shared>>) target_semaphore(%run_scoped3A : memref<!tpu.dma_semaphore, #tpu.memory_space<semaphore_mem>>)
        %dma_wait3A = arith.constant 0 : i32
        %dma_wait3A_43 = tpu.memref_slice %arg13[%add3A_38, %dma_wait3A] : memref<10240x64xf32, #tpu.memory_space<vmem_shared>> -> memref<128x64xf32, #tpu.memory_space<vmem_shared>>
        %dma_wait3A_44 = arith.constant 0 : i32
        %dma_wait3A_45 = tpu.memref_slice %arg13[%add3A_38, %dma_wait3A_44] : memref<10240x64xf32, #tpu.memory_space<vmem_shared>> -> memref<128x64xf32, #tpu.memory_space<vmem_shared>>
        tpu.wait_dma2 semaphore(%run_scoped3A : memref<!tpu.dma_semaphore, #tpu.memory_space<semaphore_mem>>) src(%arg9 : memref<128x64xf32, #tpu.memory_space<vmem>>) dst(%dma_wait3A_45 : memref<128x64xf32, #tpu.memory_space<vmem_shared>>)
        tpu.yield
      }) : () -> ()
    }
    %scan3A_6 = arith.constant 5 : i32
    %barrier3A = arith.constant 0 : index
    tpu.barrier barrier_id(%barrier3A)
    %dma_start3A = arith.constant 0 : i32
    %dma_start3A_7 = arith.constant 0 : i32
    %dma_start3A_8 = tpu.memref_slice %arg7[%dma_start3A, %dma_start3A_7] : memref<40x128xi32, #tpu.memory_space<vmem>> -> memref<1x128xi32, #tpu.memory_space<vmem>>
    %dma_start3A_9 = tpu.memref_squeeze %dma_start3A_8 : memref<1x128xi32, #tpu.memory_space<vmem>> -> memref<128xi32, #tpu.memory_space<vmem>>
    %dma_start3A_10 = arith.constant 0 : i32
    %dma_start3A_11 = arith.constant 0 : i32
    %dma_start3A_12 = tpu.memref_slice %arg2[%dma_start3A_10, %dma_start3A_11] : memref<10000x64xf32, #tpu.memory_space<hbm>> -> memref<10000x64xf32, #tpu.memory_space<hbm>>
    tpu.enqueue_indirect_dma source(%dma_start3A_12 : memref<10000x64xf32, #tpu.memory_space<hbm>>) target(%arg9 : memref<128x64xf32, #tpu.memory_space<vmem>>) offsets(%dma_start3A_9 : memref<128xi32, #tpu.memory_space<vmem>>) semaphore(%arg14 : memref<!tpu.dma_semaphore, #tpu.memory_space<semaphore_mem>>)
    %dma_start3A_13 = arith.constant 1 : i32
    %dma_start3A_14 = arith.constant 0 : i32
    %dma_start3A_15 = tpu.memref_slice %arg7[%dma_start3A_13, %dma_start3A_14] : memref<40x128xi32, #tpu.memory_space<vmem>> -> memref<1x128xi32, #tpu.memory_space<vmem>>
    %dma_start3A_16 = tpu.memref_squeeze %dma_start3A_15 : memref<1x128xi32, #tpu.memory_space<vmem>> -> memref<128xi32, #tpu.memory_space<vmem>>
    %dma_start3A_17 = arith.constant 0 : i32
    %dma_start3A_18 = arith.constant 0 : i32
    %dma_start3A_19 = tpu.memref_slice %arg2[%dma_start3A_17, %dma_start3A_18] : memref<10000x64xf32, #tpu.memory_space<hbm>> -> memref<10000x64xf32, #tpu.memory_space<hbm>>
    tpu.enqueue_indirect_dma source(%dma_start3A_19 : memref<10000x64xf32, #tpu.memory_space<hbm>>) target(%arg10 : memref<128x64xf32, #tpu.memory_space<vmem>>) offsets(%dma_start3A_16 : memref<128xi32, #tpu.memory_space<vmem>>) semaphore(%arg15 : memref<!tpu.dma_semaphore, #tpu.memory_space<semaphore_mem>>)
    %dma_start3A_20 = arith.constant 2 : i32
    %dma_start3A_21 = arith.constant 0 : i32
    %dma_start3A_22 = tpu.memref_slice %arg7[%dma_start3A_20, %dma_start3A_21] : memref<40x128xi32, #tpu.memory_space<vmem>> -> memref<1x128xi32, #tpu.memory_space<vmem>>
    %dma_start3A_23 = tpu.memref_squeeze %dma_start3A_22 : memref<1x128xi32, #tpu.memory_space<vmem>> -> memref<128xi32, #tpu.memory_space<vmem>>
    %dma_start3A_24 = arith.constant 0 : i32
    %dma_start3A_25 = arith.constant 0 : i32
    %dma_start3A_26 = tpu.memref_slice %arg2[%dma_start3A_24, %dma_start3A_25] : memref<10000x64xf32, #tpu.memory_space<hbm>> -> memref<10000x64xf32, #tpu.memory_space<hbm>>
    tpu.enqueue_indirect_dma source(%dma_start3A_26 : memref<10000x64xf32, #tpu.memory_space<hbm>>) target(%arg11 : memref<128x64xf32, #tpu.memory_space<vmem>>) offsets(%dma_start3A_23 : memref<128xi32, #tpu.memory_space<vmem>>) semaphore(%arg16 : memref<!tpu.dma_semaphore, #tpu.memory_space<semaphore_mem>>)
    %scan3A_27 = arith.constant 0 : i32
    %scan3A_28 = arith.constant 10 : i32
    %scan3A_29 = arith.addi %scan3A_27, %scan3A_28 : i32
    %scan3A_30 = arith.constant 1 : i32
    scf.for %scan3A_33 = %scan3A_27 to %scan3A_29 step %scan3A_30  : i32 {
      %mul3A_34 = arith.constant 4 : i32
      %mul3A_35 = arith.muli %scan3A_33, %mul3A_34 : i32
      %add3A_36 = arith.constant 0 : i32
      %add3A_37 = arith.addi %add3A_36, %mul3A_35 : i32
      %add3A_38 = arith.constant 0 : i32
      %add3A_39 = arith.addi %add3A_37, %add3A_38 : i32
      %add3A_40 = arith.constant 3 : i32
      %add3A_41 = arith.addi %add3A_39, %add3A_40 : i32
      %dma_start3A_42 = arith.constant 0 : i32
      %dma_start3A_43 = tpu.memref_slice %arg7[%add3A_41, %dma_start3A_42] : memref<40x128xi32, #tpu.memory_space<vmem>> -> memref<1x128xi32, #tpu.memory_space<vmem>>
      %dma_start3A_44 = tpu.memref_squeeze %dma_start3A_43 : memref<1x128xi32, #tpu.memory_space<vmem>> -> memref<128xi32, #tpu.memory_space<vmem>>
      %dma_start3A_45 = arith.constant 0 : i32
      %dma_start3A_46 = arith.constant 0 : i32
      %dma_start3A_47 = tpu.memref_slice %arg2[%dma_start3A_45, %dma_start3A_46] : memref<10000x64xf32, #tpu.memory_space<hbm>> -> memref<10000x64xf32, #tpu.memory_space<hbm>>
      tpu.enqueue_indirect_dma source(%dma_start3A_47 : memref<10000x64xf32, #tpu.memory_space<hbm>>) target(%arg12 : memref<128x64xf32, #tpu.memory_space<vmem>>) offsets(%dma_start3A_44 : memref<128xi32, #tpu.memory_space<vmem>>) semaphore(%arg17 : memref<!tpu.dma_semaphore, #tpu.memory_space<semaphore_mem>>)
      %add3A_48 = arith.constant 0 : i32
      %add3A_49 = arith.addi %add3A_37, %add3A_48 : i32
      %dma_wait3A = arith.constant 0 : i32
      %dma_wait3A_50 = tpu.memref_slice %arg7[%add3A_49, %dma_wait3A] : memref<40x128xi32, #tpu.memory_space<vmem>> -> memref<1x128xi32, #tpu.memory_space<vmem>>
      %dma_wait3A_51 = tpu.memref_squeeze %dma_wait3A_50 : memref<1x128xi32, #tpu.memory_space<vmem>> -> memref<128xi32, #tpu.memory_space<vmem>>
      %dma_wait3A_52 = arith.constant 0 : i32
      %dma_wait3A_53 = arith.constant 0 : i32
      %dma_wait3A_54 = tpu.memref_slice %arg2[%dma_wait3A_52, %dma_wait3A_53] : memref<10000x64xf32, #tpu.memory_space<hbm>> -> memref<10000x64xf32, #tpu.memory_space<hbm>>
      tpu.wait_indirect_dma semaphore(%arg14 : memref<!tpu.dma_semaphore, #tpu.memory_space<semaphore_mem>>) src(%dma_wait3A_54 : memref<10000x64xf32, #tpu.memory_space<hbm>>) dst(%arg9 : memref<128x64xf32, #tpu.memory_space<vmem>>)
      %add3A_55 = arith.constant 0 : i32
      %add3A_56 = arith.addi %add3A_37, %add3A_55 : i32
      "tpu.region"() ({
        %run_scoped3A = tpu.sem_alloc : memref<!tpu.dma_semaphore, #tpu.memory_space<semaphore_mem>>
        %dma_start3A_111 = arith.constant 0 : i32
        %dma_start3A_112 = tpu.memref_slice %arg8[%add3A_56, %dma_start3A_111] : memref<40x128xi32, #tpu.memory_space<vmem>> -> memref<1x128xi32, #tpu.memory_space<vmem>>
        %dma_start3A_113 = tpu.memref_squeeze %dma_start3A_112 : memref<1x128xi32, #tpu.memory_space<vmem>> -> memref<128xi32, #tpu.memory_space<vmem>>
        %dma_start3A_114 = arith.constant 0 : i32
        %dma_start3A_115 = arith.constant 0 : i32
        %dma_start3A_116 = tpu.memref_slice %arg13[%dma_start3A_114, %dma_start3A_115] : memref<10240x64xf32, #tpu.memory_space<vmem_shared>> -> memref<10240x64xf32, #tpu.memory_space<vmem_shared>>
        tpu.enqueue_indirect_dma source(%arg9 : memref<128x64xf32, #tpu.memory_space<vmem>>) target(%dma_start3A_116 : memref<10240x64xf32, #tpu.memory_space<vmem_shared>>) offsets(%dma_start3A_113 : memref<128xi32, #tpu.memory_space<vmem>>) semaphore(%run_scoped3A : memref<!tpu.dma_semaphore, #tpu.memory_space<semaphore_mem>>) {add = true}
        %dma_wait3A_117 = arith.constant 0 : i32
        %dma_wait3A_118 = tpu.memref_slice %arg8[%add3A_56, %dma_wait3A_117] : memref<40x128xi32, #tpu.memory_space<vmem>> -> memref<1x128xi32, #tpu.memory_space<vmem>>
        %dma_wait3A_119 = tpu.memref_squeeze %dma_wait3A_118 : memref<1x128xi32, #tpu.memory_space<vmem>> -> memref<128xi32, #tpu.memory_space<vmem>>
        %dma_wait3A_120 = arith.constant 0 : i32
        %dma_wait3A_121 = arith.constant 0 : i32
        %dma_wait3A_122 = tpu.memref_slice %arg13[%dma_wait3A_120, %dma_wait3A_121] : memref<10240x64xf32, #tpu.memory_space<vmem_shared>> -> memref<10240x64xf32, #tpu.memory_space<vmem_shared>>
        tpu.wait_indirect_dma semaphore(%run_scoped3A : memref<!tpu.dma_semaphore, #tpu.memory_space<semaphore_mem>>) src(%arg9 : memref<128x64xf32, #tpu.memory_space<vmem>>) dst(%dma_wait3A_122 : memref<10240x64xf32, #tpu.memory_space<vmem_shared>>)
        tpu.yield
      }) : () -> ()
      %add3A_57 = arith.constant 1 : i32
      %add3A_58 = arith.addi %add3A_37, %add3A_57 : i32
      %add3A_59 = arith.constant 3 : i32
      %add3A_60 = arith.addi %add3A_58, %add3A_59 : i32
      %lt3A = arith.constant 40 : i32
      %lt3A_61 = arith.cmpi slt, %add3A_60, %lt3A : i32
      %convert_element_type3A = arith.extui %lt3A_61 : i1 to i32
      %cond3A = arith.constant 0 : i32
      %cond3A_62 = arith.cmpi ne, %convert_element_type3A, %cond3A : i32
      scf.if %cond3A_62 {
        %dma_start3A_111 = arith.constant 0 : i32
        %dma_start3A_112 = tpu.memref_slice %arg7[%add3A_60, %dma_start3A_111] : memref<40x128xi32, #tpu.memory_space<vmem>> -> memref<1x128xi32, #tpu.memory_space<vmem>>
        %dma_start3A_113 = tpu.memref_squeeze %dma_start3A_112 : memref<1x128xi32, #tpu.memory_space<vmem>> -> memref<128xi32, #tpu.memory_space<vmem>>
        %dma_start3A_114 = arith.constant 0 : i32
        %dma_start3A_115 = arith.constant 0 : i32
        %dma_start3A_116 = tpu.memref_slice %arg2[%dma_start3A_114, %dma_start3A_115] : memref<10000x64xf32, #tpu.memory_space<hbm>> -> memref<10000x64xf32, #tpu.memory_space<hbm>>
        tpu.enqueue_indirect_dma source(%dma_start3A_116 : memref<10000x64xf32, #tpu.memory_space<hbm>>) target(%arg9 : memref<128x64xf32, #tpu.memory_space<vmem>>) offsets(%dma_start3A_113 : memref<128xi32, #tpu.memory_space<vmem>>) semaphore(%arg14 : memref<!tpu.dma_semaphore, #tpu.memory_space<semaphore_mem>>)
      } else {
      }
      %add3A_63 = arith.constant 1 : i32
      %add3A_64 = arith.addi %add3A_37, %add3A_63 : i32
      %dma_wait3A_65 = arith.constant 0 : i32
      %dma_wait3A_66 = tpu.memref_slice %arg7[%add3A_64, %dma_wait3A_65] : memref<40x128xi32, #tpu.memory_space<vmem>> -> memref<1x128xi32, #tpu.memory_space<vmem>>
      %dma_wait3A_67 = tpu.memref_squeeze %dma_wait3A_66 : memref<1x128xi32, #tpu.memory_space<vmem>> -> memref<128xi32, #tpu.memory_space<vmem>>
      %dma_wait3A_68 = arith.constant 0 : i32
      %dma_wait3A_69 = arith.constant 0 : i32
      %dma_wait3A_70 = tpu.memref_slice %arg2[%dma_wait3A_68, %dma_wait3A_69] : memref<10000x64xf32, #tpu.memory_space<hbm>> -> memref<10000x64xf32, #tpu.memory_space<hbm>>
      tpu.wait_indirect_dma semaphore(%arg15 : memref<!tpu.dma_semaphore, #tpu.memory_space<semaphore_mem>>) src(%dma_wait3A_70 : memref<10000x64xf32, #tpu.memory_space<hbm>>) dst(%arg10 : memref<128x64xf32, #tpu.memory_space<vmem>>)
      %add3A_71 = arith.constant 1 : i32
      %add3A_72 = arith.addi %add3A_37, %add3A_71 : i32
      "tpu.region"() ({
        %run_scoped3A = tpu.sem_alloc : memref<!tpu.dma_semaphore, #tpu.memory_space<semaphore_mem>>
        %dma_start3A_111 = arith.constant 0 : i32
        %dma_start3A_112 = tpu.memref_slice %arg8[%add3A_72, %dma_start3A_111] : memref<40x128xi32, #tpu.memory_space<vmem>> -> memref<1x128xi32, #tpu.memory_space<vmem>>
        %dma_start3A_113 = tpu.memref_squeeze %dma_start3A_112 : memref<1x128xi32, #tpu.memory_space<vmem>> -> memref<128xi32, #tpu.memory_space<vmem>>
        %dma_start3A_114 = arith.constant 0 : i32
        %dma_start3A_115 = arith.constant 0 : i32
        %dma_start3A_116 = tpu.memref_slice %arg13[%dma_start3A_114, %dma_start3A_115] : memref<10240x64xf32, #tpu.memory_space<vmem_shared>> -> memref<10240x64xf32, #tpu.memory_space<vmem_shared>>
        tpu.enqueue_indirect_dma source(%arg10 : memref<128x64xf32, #tpu.memory_space<vmem>>) target(%dma_start3A_116 : memref<10240x64xf32, #tpu.memory_space<vmem_shared>>) offsets(%dma_start3A_113 : memref<128xi32, #tpu.memory_space<vmem>>) semaphore(%run_scoped3A : memref<!tpu.dma_semaphore, #tpu.memory_space<semaphore_mem>>) {add = true}
        %dma_wait3A_117 = arith.constant 0 : i32
        %dma_wait3A_118 = tpu.memref_slice %arg8[%add3A_72, %dma_wait3A_117] : memref<40x128xi32, #tpu.memory_space<vmem>> -> memref<1x128xi32, #tpu.memory_space<vmem>>
        %dma_wait3A_119 = tpu.memref_squeeze %dma_wait3A_118 : memref<1x128xi32, #tpu.memory_space<vmem>> -> memref<128xi32, #tpu.memory_space<vmem>>
        %dma_wait3A_120 = arith.constant 0 : i32
        %dma_wait3A_121 = arith.constant 0 : i32
        %dma_wait3A_122 = tpu.memref_slice %arg13[%dma_wait3A_120, %dma_wait3A_121] : memref<10240x64xf32, #tpu.memory_space<vmem_shared>> -> memref<10240x64xf32, #tpu.memory_space<vmem_shared>>
        tpu.wait_indirect_dma semaphore(%run_scoped3A : memref<!tpu.dma_semaphore, #tpu.memory_space<semaphore_mem>>) src(%arg10 : memref<128x64xf32, #tpu.memory_space<vmem>>) dst(%dma_wait3A_122 : memref<10240x64xf32, #tpu.memory_space<vmem_shared>>)
        tpu.yield
      }) : () -> ()
      %add3A_73 = arith.constant 2 : i32
      %add3A_74 = arith.addi %add3A_37, %add3A_73 : i32
      %add3A_75 = arith.constant 3 : i32
      %add3A_76 = arith.addi %add3A_74, %add3A_75 : i32
      %lt3A_77 = arith.constant 40 : i32
      %lt3A_78 = arith.cmpi slt, %add3A_76, %lt3A_77 : i32
      %convert_element_type3A_79 = arith.extui %lt3A_78 : i1 to i32
      %cond3A_80 = arith.constant 0 : i32
      %cond3A_81 = arith.cmpi ne, %convert_element_type3A_79, %cond3A_80 : i32
      scf.if %cond3A_81 {
        %dma_start3A_111 = arith.constant 0 : i32
        %dma_start3A_112 = tpu.memref_slice %arg7[%add3A_76, %dma_start3A_111] : memref<40x128xi32, #tpu.memory_space<vmem>> -> memref<1x128xi32, #tpu.memory_space<vmem>>
        %dma_start3A_113 = tpu.memref_squeeze %dma_start3A_112 : memref<1x128xi32, #tpu.memory_space<vmem>> -> memref<128xi32, #tpu.memory_space<vmem>>
        %dma_start3A_114 = arith.constant 0 : i32
        %dma_start3A_115 = arith.constant 0 : i32
        %dma_start3A_116 = tpu.memref_slice %arg2[%dma_start3A_114, %dma_start3A_115] : memref<10000x64xf32, #tpu.memory_space<hbm>> -> memref<10000x64xf32, #tpu.memory_space<hbm>>
        tpu.enqueue_indirect_dma source(%dma_start3A_116 : memref<10000x64xf32, #tpu.memory_space<hbm>>) target(%arg10 : memref<128x64xf32, #tpu.memory_space<vmem>>) offsets(%dma_start3A_113 : memref<128xi32, #tpu.memory_space<vmem>>) semaphore(%arg15 : memref<!tpu.dma_semaphore, #tpu.memory_space<semaphore_mem>>)
      } else {
      }
      %add3A_82 = arith.constant 2 : i32
      %add3A_83 = arith.addi %add3A_37, %add3A_82 : i32
      %dma_wait3A_84 = arith.constant 0 : i32
      %dma_wait3A_85 = tpu.memref_slice %arg7[%add3A_83, %dma_wait3A_84] : memref<40x128xi32, #tpu.memory_space<vmem>> -> memref<1x128xi32, #tpu.memory_space<vmem>>
      %dma_wait3A_86 = tpu.memref_squeeze %dma_wait3A_85 : memref<1x128xi32, #tpu.memory_space<vmem>> -> memref<128xi32, #tpu.memory_space<vmem>>
      %dma_wait3A_87 = arith.constant 0 : i32
      %dma_wait3A_88 = arith.constant 0 : i32
      %dma_wait3A_89 = tpu.memref_slice %arg2[%dma_wait3A_87, %dma_wait3A_88] : memref<10000x64xf32, #tpu.memory_space<hbm>> -> memref<10000x64xf32, #tpu.memory_space<hbm>>
      tpu.wait_indirect_dma semaphore(%arg16 : memref<!tpu.dma_semaphore, #tpu.memory_space<semaphore_mem>>) src(%dma_wait3A_89 : memref<10000x64xf32, #tpu.memory_space<hbm>>) dst(%arg11 : memref<128x64xf32, #tpu.memory_space<vmem>>)
      %add3A_90 = arith.constant 2 : i32
      %add3A_91 = arith.addi %add3A_37, %add3A_90 : i32
      "tpu.region"() ({
        %run_scoped3A = tpu.sem_alloc : memref<!tpu.dma_semaphore, #tpu.memory_space<semaphore_mem>>
        %dma_start3A_111 = arith.constant 0 : i32
        %dma_start3A_112 = tpu.memref_slice %arg8[%add3A_91, %dma_start3A_111] : memref<40x128xi32, #tpu.memory_space<vmem>> -> memref<1x128xi32, #tpu.memory_space<vmem>>
        %dma_start3A_113 = tpu.memref_squeeze %dma_start3A_112 : memref<1x128xi32, #tpu.memory_space<vmem>> -> memref<128xi32, #tpu.memory_space<vmem>>
        %dma_start3A_114 = arith.constant 0 : i32
        %dma_start3A_115 = arith.constant 0 : i32
        %dma_start3A_116 = tpu.memref_slice %arg13[%dma_start3A_114, %dma_start3A_115] : memref<10240x64xf32, #tpu.memory_space<vmem_shared>> -> memref<10240x64xf32, #tpu.memory_space<vmem_shared>>
        tpu.enqueue_indirect_dma source(%arg11 : memref<128x64xf32, #tpu.memory_space<vmem>>) target(%dma_start3A_116 : memref<10240x64xf32, #tpu.memory_space<vmem_shared>>) offsets(%dma_start3A_113 : memref<128xi32, #tpu.memory_space<vmem>>) semaphore(%run_scoped3A : memref<!tpu.dma_semaphore, #tpu.memory_space<semaphore_mem>>) {add = true}
        %dma_wait3A_117 = arith.constant 0 : i32
        %dma_wait3A_118 = tpu.memref_slice %arg8[%add3A_91, %dma_wait3A_117] : memref<40x128xi32, #tpu.memory_space<vmem>> -> memref<1x128xi32, #tpu.memory_space<vmem>>
        %dma_wait3A_119 = tpu.memref_squeeze %dma_wait3A_118 : memref<1x128xi32, #tpu.memory_space<vmem>> -> memref<128xi32, #tpu.memory_space<vmem>>
        %dma_wait3A_120 = arith.constant 0 : i32
        %dma_wait3A_121 = arith.constant 0 : i32
        %dma_wait3A_122 = tpu.memref_slice %arg13[%dma_wait3A_120, %dma_wait3A_121] : memref<10240x64xf32, #tpu.memory_space<vmem_shared>> -> memref<10240x64xf32, #tpu.memory_space<vmem_shared>>
        tpu.wait_indirect_dma semaphore(%run_scoped3A : memref<!tpu.dma_semaphore, #tpu.memory_space<semaphore_mem>>) src(%arg11 : memref<128x64xf32, #tpu.memory_space<vmem>>) dst(%dma_wait3A_122 : memref<10240x64xf32, #tpu.memory_space<vmem_shared>>)
        tpu.yield
      }) : () -> ()
      %add3A_92 = arith.constant 3 : i32
      %add3A_93 = arith.addi %add3A_37, %add3A_92 : i32
      %add3A_94 = arith.constant 3 : i32
      %add3A_95 = arith.addi %add3A_93, %add3A_94 : i32
      %lt3A_96 = arith.constant 40 : i32
      %lt3A_97 = arith.cmpi slt, %add3A_95, %lt3A_96 : i32
      %convert_element_type3A_98 = arith.extui %lt3A_97 : i1 to i32
      %cond3A_99 = arith.constant 0 : i32
      %cond3A_100 = arith.cmpi ne, %convert_element_type3A_98, %cond3A_99 : i32
      scf.if %cond3A_100 {
        %dma_start3A_111 = arith.constant 0 : i32
        %dma_start3A_112 = tpu.memref_slice %arg7[%add3A_95, %dma_start3A_111] : memref<40x128xi32, #tpu.memory_space<vmem>> -> memref<1x128xi32, #tpu.memory_space<vmem>>
        %dma_start3A_113 = tpu.memref_squeeze %dma_start3A_112 : memref<1x128xi32, #tpu.memory_space<vmem>> -> memref<128xi32, #tpu.memory_space<vmem>>
        %dma_start3A_114 = arith.constant 0 : i32
        %dma_start3A_115 = arith.constant 0 : i32
        %dma_start3A_116 = tpu.memref_slice %arg2[%dma_start3A_114, %dma_start3A_115] : memref<10000x64xf32, #tpu.memory_space<hbm>> -> memref<10000x64xf32, #tpu.memory_space<hbm>>
        tpu.enqueue_indirect_dma source(%dma_start3A_116 : memref<10000x64xf32, #tpu.memory_space<hbm>>) target(%arg11 : memref<128x64xf32, #tpu.memory_space<vmem>>) offsets(%dma_start3A_113 : memref<128xi32, #tpu.memory_space<vmem>>) semaphore(%arg16 : memref<!tpu.dma_semaphore, #tpu.memory_space<semaphore_mem>>)
      } else {
      }
      %add3A_101 = arith.constant 3 : i32
      %add3A_102 = arith.addi %add3A_37, %add3A_101 : i32
      %dma_wait3A_103 = arith.constant 0 : i32
      %dma_wait3A_104 = tpu.memref_slice %arg7[%add3A_102, %dma_wait3A_103] : memref<40x128xi32, #tpu.memory_space<vmem>> -> memref<1x128xi32, #tpu.memory_space<vmem>>
      %dma_wait3A_105 = tpu.memref_squeeze %dma_wait3A_104 : memref<1x128xi32, #tpu.memory_space<vmem>> -> memref<128xi32, #tpu.memory_space<vmem>>
      %dma_wait3A_106 = arith.constant 0 : i32
      %dma_wait3A_107 = arith.constant 0 : i32
      %dma_wait3A_108 = tpu.memref_slice %arg2[%dma_wait3A_106, %dma_wait3A_107] : memref<10000x64xf32, #tpu.memory_space<hbm>> -> memref<10000x64xf32, #tpu.memory_space<hbm>>
      tpu.wait_indirect_dma semaphore(%arg17 : memref<!tpu.dma_semaphore, #tpu.memory_space<semaphore_mem>>) src(%dma_wait3A_108 : memref<10000x64xf32, #tpu.memory_space<hbm>>) dst(%arg12 : memref<128x64xf32, #tpu.memory_space<vmem>>)
      %add3A_109 = arith.constant 3 : i32
      %add3A_110 = arith.addi %add3A_37, %add3A_109 : i32
      "tpu.region"() ({
        %run_scoped3A = tpu.sem_alloc : memref<!tpu.dma_semaphore, #tpu.memory_space<semaphore_mem>>
        %dma_start3A_111 = arith.constant 0 : i32
        %dma_start3A_112 = tpu.memref_slice %arg8[%add3A_110, %dma_start3A_111] : memref<40x128xi32, #tpu.memory_space<vmem>> -> memref<1x128xi32, #tpu.memory_space<vmem>>
        %dma_start3A_113 = tpu.memref_squeeze %dma_start3A_112 : memref<1x128xi32, #tpu.memory_space<vmem>> -> memref<128xi32, #tpu.memory_space<vmem>>
        %dma_start3A_114 = arith.constant 0 : i32
        %dma_start3A_115 = arith.constant 0 : i32
        %dma_start3A_116 = tpu.memref_slice %arg13[%dma_start3A_114, %dma_start3A_115] : memref<10240x64xf32, #tpu.memory_space<vmem_shared>> -> memref<10240x64xf32, #tpu.memory_space<vmem_shared>>
        tpu.enqueue_indirect_dma source(%arg12 : memref<128x64xf32, #tpu.memory_space<vmem>>) target(%dma_start3A_116 : memref<10240x64xf32, #tpu.memory_space<vmem_shared>>) offsets(%dma_start3A_113 : memref<128xi32, #tpu.memory_space<vmem>>) semaphore(%run_scoped3A : memref<!tpu.dma_semaphore, #tpu.memory_space<semaphore_mem>>) {add = true}
        %dma_wait3A_117 = arith.constant 0 : i32
        %dma_wait3A_118 = tpu.memref_slice %arg8[%add3A_110, %dma_wait3A_117] : memref<40x128xi32, #tpu.memory_space<vmem>> -> memref<1x128xi32, #tpu.memory_space<vmem>>
        %dma_wait3A_119 = tpu.memref_squeeze %dma_wait3A_118 : memref<1x128xi32, #tpu.memory_space<vmem>> -> memref<128xi32, #tpu.memory_space<vmem>>
        %dma_wait3A_120 = arith.constant 0 : i32
        %dma_wait3A_121 = arith.constant 0 : i32
        %dma_wait3A_122 = tpu.memref_slice %arg13[%dma_wait3A_120, %dma_wait3A_121] : memref<10240x64xf32, #tpu.memory_space<vmem_shared>> -> memref<10240x64xf32, #tpu.memory_space<vmem_shared>>
        tpu.wait_indirect_dma semaphore(%run_scoped3A : memref<!tpu.dma_semaphore, #tpu.memory_space<semaphore_mem>>) src(%arg12 : memref<128x64xf32, #tpu.memory_space<vmem>>) dst(%dma_wait3A_122 : memref<10240x64xf32, #tpu.memory_space<vmem_shared>>)
        tpu.yield
      }) : () -> ()
    }
    %scan3A_31 = arith.constant 10 : i32
    %barrier3A_32 = arith.constant 0 : index
    tpu.barrier barrier_id(%barrier3A_32)
    "tpu.region"() ({
      %run_scoped3A = tpu.sem_alloc : memref<!tpu.dma_semaphore, #tpu.memory_space<semaphore_mem>>
      %dma_start3A_33 = arith.constant 0 : i32
      %dma_start3A_34 = tpu.memref_slice %arg6[%arg0, %mul3A_2, %dma_start3A_33] : memref<2x10240x64xf32, #tpu.memory_space<hbm>> -> memref<1x640x64xf32, #tpu.memory_space<hbm>>
      %dma_start3A_35 = tpu.memref_squeeze %dma_start3A_34 : memref<1x640x64xf32, #tpu.memory_space<hbm>> -> memref<640x64xf32, #tpu.memory_space<hbm>>
      %dma_start3A_36 = arith.constant 0 : i32
      %dma_start3A_37 = tpu.memref_slice %arg13[%mul3A_2, %dma_start3A_36] : memref<10240x64xf32, #tpu.memory_space<vmem_shared>> -> memref<640x64xf32, #tpu.memory_space<vmem_shared>>
      tpu.enqueue_dma source(%dma_start3A_37 : memref<640x64xf32, #tpu.memory_space<vmem_shared>>) target(%dma_start3A_35 : memref<640x64xf32, #tpu.memory_space<hbm>>) target_semaphore(%run_scoped3A : memref<!tpu.dma_semaphore, #tpu.memory_space<semaphore_mem>>)
      %dma_wait3A = arith.constant 0 : i32
      %dma_wait3A_38 = tpu.memref_slice %arg6[%arg0, %mul3A_2, %dma_wait3A] : memref<2x10240x64xf32, #tpu.memory_space<hbm>> -> memref<1x640x64xf32, #tpu.memory_space<hbm>>
      %dma_wait3A_39 = tpu.memref_squeeze %dma_wait3A_38 : memref<1x640x64xf32, #tpu.memory_space<hbm>> -> memref<640x64xf32, #tpu.memory_space<hbm>>
      %dma_wait3A_40 = arith.constant 0 : i32
      %dma_wait3A_41 = tpu.memref_slice %arg13[%mul3A_2, %dma_wait3A_40] : memref<10240x64xf32, #tpu.memory_space<vmem_shared>> -> memref<640x64xf32, #tpu.memory_space<vmem_shared>>
      tpu.wait_dma2 semaphore(%run_scoped3A : memref<!tpu.dma_semaphore, #tpu.memory_space<semaphore_mem>>) src(%dma_wait3A_41 : memref<640x64xf32, #tpu.memory_space<vmem_shared>>) dst(%dma_wait3A_39 : memref<640x64xf32, #tpu.memory_space<hbm>>)
      tpu.yield
    }) : () -> ()
    return
  }
}

#map = affine_map<(d0, d1) -> (0, 0)>
#map1 = affine_map<(d0, d1) -> (0, 0, 0)>
module attributes {stable_mosaic.version = 14 : i64} {
  func.func @agg_kernel(%arg0: i32, %arg1: i32, %arg2: memref<10000x64xf32, #tpu.memory_space<hbm>>, %arg3: memref<40x32x128xi32, #tpu.memory_space<hbm>>, %arg4: memref<40x32x128xi32, #tpu.memory_space<hbm>>, %arg5: memref<128x64xf32, #tpu.memory_space<hbm>>, %arg6: memref<2x10240x64xf32, #tpu.memory_space<hbm>>, %arg7: memref<40x128xi32, #tpu.memory_space<vmem>>, %arg8: memref<40x128xi32, #tpu.memory_space<vmem>>, %arg9: memref<128x64xf32, #tpu.memory_space<vmem>>, %arg10: memref<128x64xf32, #tpu.memory_space<vmem>>, %arg11: memref<128x64xf32, #tpu.memory_space<vmem>>, %arg12: memref<128x64xf32, #tpu.memory_space<vmem>>, %arg13: memref<10240x64xf32, #tpu.memory_space<vmem_shared>>, %arg14: memref<!tpu.dma_semaphore, #tpu.memory_space<semaphore_mem>>, %arg15: memref<!tpu.dma_semaphore, #tpu.memory_space<semaphore_mem>>, %arg16: memref<!tpu.dma_semaphore, #tpu.memory_space<semaphore_mem>>, %arg17: memref<!tpu.dma_semaphore, #tpu.memory_space<semaphore_mem>>) attributes {dimension_semantics = [#tpu.dimension_semantics<core_parallel>, #tpu.dimension_semantics<subcore_parallel>], iteration_bounds = array<i64: 2, 16>, scalar_prefetch = 0 : i64, scratch_operands = 11 : i64, tpu.core_type = #tpu.core_type<sc_vector_subcore>, window_params = [{transform_indices = #map}, {transform_indices = #map1}, {transform_indices = #map1}, {transform_indices = #map}, {transform_indices = #map1}]} {
    %mul3A = arith.constant 16 : i32
    %mul3A_0 = arith.muli %arg0, %mul3A : i32
    %add3A = arith.addi %mul3A_0, %arg1 : i32
    "tpu.region"() ({
      %run_scoped3A = tpu.sem_alloc : memref<!tpu.dma_semaphore, #tpu.memory_space<semaphore_mem>>
      %dma_start3A_33 = arith.constant 0 : i32
      %dma_start3A_34 = arith.constant 0 : i32
      %dma_start3A_35 = tpu.memref_slice %arg3[%dma_start3A_33, %add3A, %dma_start3A_34] : memref<40x32x128xi32, #tpu.memory_space<hbm>> -> memref<40x1x128xi32, #tpu.memory_space<hbm>>
      %dma_start3A_36 = tpu.memref_squeeze %dma_start3A_35 : memref<40x1x128xi32, #tpu.memory_space<hbm>> -> memref<40x128xi32, #tpu.memory_space<hbm>>
      %dma_start3A_37 = arith.constant 0 : i32
      %dma_start3A_38 = arith.constant 0 : i32
      %dma_start3A_39 = tpu.memref_slice %arg3[%dma_start3A_37, %add3A, %dma_start3A_38] : memref<40x32x128xi32, #tpu.memory_space<hbm>> -> memref<40x1x128xi32, #tpu.memory_space<hbm>>
      %dma_start3A_40 = tpu.memref_squeeze %dma_start3A_39 : memref<40x1x128xi32, #tpu.memory_space<hbm>> -> memref<40x128xi32, #tpu.memory_space<hbm>>
      tpu.enqueue_dma source(%dma_start3A_40 : memref<40x128xi32, #tpu.memory_space<hbm>>) target(%arg7 : memref<40x128xi32, #tpu.memory_space<vmem>>) target_semaphore(%run_scoped3A : memref<!tpu.dma_semaphore, #tpu.memory_space<semaphore_mem>>)
      %dma_wait3A = arith.constant 0 : i32
      %dma_wait3A_41 = arith.constant 0 : i32
      %dma_wait3A_42 = tpu.memref_slice %arg3[%dma_wait3A, %add3A, %dma_wait3A_41] : memref<40x32x128xi32, #tpu.memory_space<hbm>> -> memref<40x1x128xi32, #tpu.memory_space<hbm>>
      %dma_wait3A_43 = tpu.memref_squeeze %dma_wait3A_42 : memref<40x1x128xi32, #tpu.memory_space<hbm>> -> memref<40x128xi32, #tpu.memory_space<hbm>>
      %dma_wait3A_44 = arith.constant 0 : i32
      %dma_wait3A_45 = arith.constant 0 : i32
      %dma_wait3A_46 = tpu.memref_slice %arg3[%dma_wait3A_44, %add3A, %dma_wait3A_45] : memref<40x32x128xi32, #tpu.memory_space<hbm>> -> memref<40x1x128xi32, #tpu.memory_space<hbm>>
      %dma_wait3A_47 = tpu.memref_squeeze %dma_wait3A_46 : memref<40x1x128xi32, #tpu.memory_space<hbm>> -> memref<40x128xi32, #tpu.memory_space<hbm>>
      tpu.wait_dma2 semaphore(%run_scoped3A : memref<!tpu.dma_semaphore, #tpu.memory_space<semaphore_mem>>) src(%dma_wait3A_47 : memref<40x128xi32, #tpu.memory_space<hbm>>) dst(%arg7 : memref<40x128xi32, #tpu.memory_space<vmem>>)
      tpu.yield
    }) : () -> ()
    "tpu.region"() ({
      %run_scoped3A = tpu.sem_alloc : memref<!tpu.dma_semaphore, #tpu.memory_space<semaphore_mem>>
      %dma_start3A_33 = arith.constant 0 : i32
      %dma_start3A_34 = arith.constant 0 : i32
      %dma_start3A_35 = tpu.memref_slice %arg4[%dma_start3A_33, %add3A, %dma_start3A_34] : memref<40x32x128xi32, #tpu.memory_space<hbm>> -> memref<40x1x128xi32, #tpu.memory_space<hbm>>
      %dma_start3A_36 = tpu.memref_squeeze %dma_start3A_35 : memref<40x1x128xi32, #tpu.memory_space<hbm>> -> memref<40x128xi32, #tpu.memory_space<hbm>>
      %dma_start3A_37 = arith.constant 0 : i32
      %dma_start3A_38 = arith.constant 0 : i32
      %dma_start3A_39 = tpu.memref_slice %arg4[%dma_start3A_37, %add3A, %dma_start3A_38] : memref<40x32x128xi32, #tpu.memory_space<hbm>> -> memref<40x1x128xi32, #tpu.memory_space<hbm>>
      %dma_start3A_40 = tpu.memref_squeeze %dma_start3A_39 : memref<40x1x128xi32, #tpu.memory_space<hbm>> -> memref<40x128xi32, #tpu.memory_space<hbm>>
      tpu.enqueue_dma source(%dma_start3A_40 : memref<40x128xi32, #tpu.memory_space<hbm>>) target(%arg8 : memref<40x128xi32, #tpu.memory_space<vmem>>) target_semaphore(%run_scoped3A : memref<!tpu.dma_semaphore, #tpu.memory_space<semaphore_mem>>)
      %dma_wait3A = arith.constant 0 : i32
      %dma_wait3A_41 = arith.constant 0 : i32
      %dma_wait3A_42 = tpu.memref_slice %arg4[%dma_wait3A, %add3A, %dma_wait3A_41] : memref<40x32x128xi32, #tpu.memory_space<hbm>> -> memref<40x1x128xi32, #tpu.memory_space<hbm>>
      %dma_wait3A_43 = tpu.memref_squeeze %dma_wait3A_42 : memref<40x1x128xi32, #tpu.memory_space<hbm>> -> memref<40x128xi32, #tpu.memory_space<hbm>>
      %dma_wait3A_44 = arith.constant 0 : i32
      %dma_wait3A_45 = arith.constant 0 : i32
      %dma_wait3A_46 = tpu.memref_slice %arg4[%dma_wait3A_44, %add3A, %dma_wait3A_45] : memref<40x32x128xi32, #tpu.memory_space<hbm>> -> memref<40x1x128xi32, #tpu.memory_space<hbm>>
      %dma_wait3A_47 = tpu.memref_squeeze %dma_wait3A_46 : memref<40x1x128xi32, #tpu.memory_space<hbm>> -> memref<40x128xi32, #tpu.memory_space<hbm>>
      tpu.wait_dma2 semaphore(%run_scoped3A : memref<!tpu.dma_semaphore, #tpu.memory_space<semaphore_mem>>) src(%dma_wait3A_47 : memref<40x128xi32, #tpu.memory_space<hbm>>) dst(%arg8 : memref<40x128xi32, #tpu.memory_space<vmem>>)
      tpu.yield
    }) : () -> ()
    %mul3A_1 = arith.constant 640 : i32
    %mul3A_2 = arith.muli %arg1, %mul3A_1 : i32
    "tpu.region"() ({
      %run_scoped3A = tpu.sem_alloc : memref<!tpu.dma_semaphore, #tpu.memory_space<semaphore_mem>>
      tpu.enqueue_dma source(%arg5 : memref<128x64xf32, #tpu.memory_space<hbm>>) target(%arg9 : memref<128x64xf32, #tpu.memory_space<vmem>>) target_semaphore(%run_scoped3A : memref<!tpu.dma_semaphore, #tpu.memory_space<semaphore_mem>>)
      tpu.wait_dma2 semaphore(%run_scoped3A : memref<!tpu.dma_semaphore, #tpu.memory_space<semaphore_mem>>) src(%arg5 : memref<128x64xf32, #tpu.memory_space<hbm>>) dst(%arg9 : memref<128x64xf32, #tpu.memory_space<vmem>>)
      tpu.yield
    }) : () -> ()
    %scan3A = arith.constant 0 : i32
    %scan3A_3 = arith.constant 5 : i32
    %scan3A_4 = arith.addi %scan3A, %scan3A_3 : i32
    %scan3A_5 = arith.constant 1 : i32
    scf.for %scan3A_33 = %scan3A to %scan3A_4 step %scan3A_5  : i32 {
      %mul3A_34 = arith.constant 128 : i32
      %mul3A_35 = arith.muli %scan3A_33, %mul3A_34 : i32
      %add3A_36 = arith.constant 0 : i32
      %add3A_37 = arith.addi %add3A_36, %mul3A_35 : i32
      %add3A_38 = arith.addi %mul3A_2, %add3A_37 : i32
      "tpu.region"() ({
        %run_scoped3A = tpu.sem_alloc : memref<!tpu.dma_semaphore, #tpu.memory_space<semaphore_mem>>
        %dma_start3A_39 = arith.constant 0 : i32
        %dma_start3A_40 = tpu.memref_slice %arg13[%add3A_38, %dma_start3A_39] : memref<10240x64xf32, #tpu.memory_space<vmem_shared>> -> memref<128x64xf32, #tpu.memory_space<vmem_shared>>
        %dma_start3A_41 = arith.constant 0 : i32
        %dma_start3A_42 = tpu.memref_slice %arg13[%add3A_38, %dma_start3A_41] : memref<10240x64xf32, #tpu.memory_space<vmem_shared>> -> memref<128x64xf32, #tpu.memory_space<vmem_shared>>
        tpu.enqueue_dma source(%arg9 : memref<128x64xf32, #tpu.memory_space<vmem>>) target(%dma_start3A_42 : memref<128x64xf32, #tpu.memory_space<vmem_shared>>) target_semaphore(%run_scoped3A : memref<!tpu.dma_semaphore, #tpu.memory_space<semaphore_mem>>)
        %dma_wait3A = arith.constant 0 : i32
        %dma_wait3A_43 = tpu.memref_slice %arg13[%add3A_38, %dma_wait3A] : memref<10240x64xf32, #tpu.memory_space<vmem_shared>> -> memref<128x64xf32, #tpu.memory_space<vmem_shared>>
        %dma_wait3A_44 = arith.constant 0 : i32
        %dma_wait3A_45 = tpu.memref_slice %arg13[%add3A_38, %dma_wait3A_44] : memref<10240x64xf32, #tpu.memory_space<vmem_shared>> -> memref<128x64xf32, #tpu.memory_space<vmem_shared>>
        tpu.wait_dma2 semaphore(%run_scoped3A : memref<!tpu.dma_semaphore, #tpu.memory_space<semaphore_mem>>) src(%arg9 : memref<128x64xf32, #tpu.memory_space<vmem>>) dst(%dma_wait3A_45 : memref<128x64xf32, #tpu.memory_space<vmem_shared>>)
        tpu.yield
      }) : () -> ()
    }
    %scan3A_6 = arith.constant 5 : i32
    %barrier3A = arith.constant 0 : index
    tpu.barrier barrier_id(%barrier3A)
    %dma_start3A = arith.constant 0 : i32
    %dma_start3A_7 = arith.constant 0 : i32
    %dma_start3A_8 = tpu.memref_slice %arg7[%dma_start3A, %dma_start3A_7] : memref<40x128xi32, #tpu.memory_space<vmem>> -> memref<1x128xi32, #tpu.memory_space<vmem>>
    %dma_start3A_9 = tpu.memref_squeeze %dma_start3A_8 : memref<1x128xi32, #tpu.memory_space<vmem>> -> memref<128xi32, #tpu.memory_space<vmem>>
    %dma_start3A_10 = arith.constant 0 : i32
    %dma_start3A_11 = arith.constant 0 : i32
    %dma_start3A_12 = tpu.memref_slice %arg2[%dma_start3A_10, %dma_start3A_11] : memref<10000x64xf32, #tpu.memory_space<hbm>> -> memref<10000x64xf32, #tpu.memory_space<hbm>>
    tpu.enqueue_indirect_dma source(%dma_start3A_12 : memref<10000x64xf32, #tpu.memory_space<hbm>>) target(%arg9 : memref<128x64xf32, #tpu.memory_space<vmem>>) offsets(%dma_start3A_9 : memref<128xi32, #tpu.memory_space<vmem>>) semaphore(%arg14 : memref<!tpu.dma_semaphore, #tpu.memory_space<semaphore_mem>>)
    %dma_start3A_13 = arith.constant 1 : i32
    %dma_start3A_14 = arith.constant 0 : i32
    %dma_start3A_15 = tpu.memref_slice %arg7[%dma_start3A_13, %dma_start3A_14] : memref<40x128xi32, #tpu.memory_space<vmem>> -> memref<1x128xi32, #tpu.memory_space<vmem>>
    %dma_start3A_16 = tpu.memref_squeeze %dma_start3A_15 : memref<1x128xi32, #tpu.memory_space<vmem>> -> memref<128xi32, #tpu.memory_space<vmem>>
    %dma_start3A_17 = arith.constant 0 : i32
    %dma_start3A_18 = arith.constant 0 : i32
    %dma_start3A_19 = tpu.memref_slice %arg2[%dma_start3A_17, %dma_start3A_18] : memref<10000x64xf32, #tpu.memory_space<hbm>> -> memref<10000x64xf32, #tpu.memory_space<hbm>>
    tpu.enqueue_indirect_dma source(%dma_start3A_19 : memref<10000x64xf32, #tpu.memory_space<hbm>>) target(%arg10 : memref<128x64xf32, #tpu.memory_space<vmem>>) offsets(%dma_start3A_16 : memref<128xi32, #tpu.memory_space<vmem>>) semaphore(%arg15 : memref<!tpu.dma_semaphore, #tpu.memory_space<semaphore_mem>>)
    %dma_start3A_20 = arith.constant 2 : i32
    %dma_start3A_21 = arith.constant 0 : i32
    %dma_start3A_22 = tpu.memref_slice %arg7[%dma_start3A_20, %dma_start3A_21] : memref<40x128xi32, #tpu.memory_space<vmem>> -> memref<1x128xi32, #tpu.memory_space<vmem>>
    %dma_start3A_23 = tpu.memref_squeeze %dma_start3A_22 : memref<1x128xi32, #tpu.memory_space<vmem>> -> memref<128xi32, #tpu.memory_space<vmem>>
    %dma_start3A_24 = arith.constant 0 : i32
    %dma_start3A_25 = arith.constant 0 : i32
    %dma_start3A_26 = tpu.memref_slice %arg2[%dma_start3A_24, %dma_start3A_25] : memref<10000x64xf32, #tpu.memory_space<hbm>> -> memref<10000x64xf32, #tpu.memory_space<hbm>>
    tpu.enqueue_indirect_dma source(%dma_start3A_26 : memref<10000x64xf32, #tpu.memory_space<hbm>>) target(%arg11 : memref<128x64xf32, #tpu.memory_space<vmem>>) offsets(%dma_start3A_23 : memref<128xi32, #tpu.memory_space<vmem>>) semaphore(%arg16 : memref<!tpu.dma_semaphore, #tpu.memory_space<semaphore_mem>>)
    %scan3A_27 = arith.constant 0 : i32
    %scan3A_28 = arith.constant 10 : i32
    %scan3A_29 = arith.addi %scan3A_27, %scan3A_28 : i32
    %scan3A_30 = arith.constant 1 : i32
    scf.for %scan3A_33 = %scan3A_27 to %scan3A_29 step %scan3A_30  : i32 {
      %mul3A_34 = arith.constant 4 : i32
      %mul3A_35 = arith.muli %scan3A_33, %mul3A_34 : i32
      %add3A_36 = arith.constant 0 : i32
      %add3A_37 = arith.addi %add3A_36, %mul3A_35 : i32
      %add3A_38 = arith.constant 0 : i32
      %add3A_39 = arith.addi %add3A_37, %add3A_38 : i32
      %add3A_40 = arith.constant 3 : i32
      %add3A_41 = arith.addi %add3A_39, %add3A_40 : i32
      %dma_start3A_42 = arith.constant 0 : i32
      %dma_start3A_43 = tpu.memref_slice %arg7[%add3A_41, %dma_start3A_42] : memref<40x128xi32, #tpu.memory_space<vmem>> -> memref<1x128xi32, #tpu.memory_space<vmem>>
      %dma_start3A_44 = tpu.memref_squeeze %dma_start3A_43 : memref<1x128xi32, #tpu.memory_space<vmem>> -> memref<128xi32, #tpu.memory_space<vmem>>
      %dma_start3A_45 = arith.constant 0 : i32
      %dma_start3A_46 = arith.constant 0 : i32
      %dma_start3A_47 = tpu.memref_slice %arg2[%dma_start3A_45, %dma_start3A_46] : memref<10000x64xf32, #tpu.memory_space<hbm>> -> memref<10000x64xf32, #tpu.memory_space<hbm>>
      tpu.enqueue_indirect_dma source(%dma_start3A_47 : memref<10000x64xf32, #tpu.memory_space<hbm>>) target(%arg12 : memref<128x64xf32, #tpu.memory_space<vmem>>) offsets(%dma_start3A_44 : memref<128xi32, #tpu.memory_space<vmem>>) semaphore(%arg17 : memref<!tpu.dma_semaphore, #tpu.memory_space<semaphore_mem>>)
      %add3A_48 = arith.constant 0 : i32
      %add3A_49 = arith.addi %add3A_37, %add3A_48 : i32
      %dma_wait3A = arith.constant 0 : i32
      %dma_wait3A_50 = tpu.memref_slice %arg7[%add3A_49, %dma_wait3A] : memref<40x128xi32, #tpu.memory_space<vmem>> -> memref<1x128xi32, #tpu.memory_space<vmem>>
      %dma_wait3A_51 = tpu.memref_squeeze %dma_wait3A_50 : memref<1x128xi32, #tpu.memory_space<vmem>> -> memref<128xi32, #tpu.memory_space<vmem>>
      %dma_wait3A_52 = arith.constant 0 : i32
      %dma_wait3A_53 = arith.constant 0 : i32
      %dma_wait3A_54 = tpu.memref_slice %arg2[%dma_wait3A_52, %dma_wait3A_53] : memref<10000x64xf32, #tpu.memory_space<hbm>> -> memref<10000x64xf32, #tpu.memory_space<hbm>>
      tpu.wait_indirect_dma semaphore(%arg14 : memref<!tpu.dma_semaphore, #tpu.memory_space<semaphore_mem>>) src(%dma_wait3A_54 : memref<10000x64xf32, #tpu.memory_space<hbm>>) dst(%arg9 : memref<128x64xf32, #tpu.memory_space<vmem>>)
      %add3A_55 = arith.constant 0 : i32
      %add3A_56 = arith.addi %add3A_37, %add3A_55 : i32
      "tpu.region"() ({
        %run_scoped3A = tpu.sem_alloc : memref<!tpu.dma_semaphore, #tpu.memory_space<semaphore_mem>>
        %dma_start3A_111 = arith.constant 0 : i32
        %dma_start3A_112 = tpu.memref_slice %arg8[%add3A_56, %dma_start3A_111] : memref<40x128xi32, #tpu.memory_space<vmem>> -> memref<1x128xi32, #tpu.memory_space<vmem>>
        %dma_start3A_113 = tpu.memref_squeeze %dma_start3A_112 : memref<1x128xi32, #tpu.memory_space<vmem>> -> memref<128xi32, #tpu.memory_space<vmem>>
        %dma_start3A_114 = arith.constant 0 : i32
        %dma_start3A_115 = arith.constant 0 : i32
        %dma_start3A_116 = tpu.memref_slice %arg13[%dma_start3A_114, %dma_start3A_115] : memref<10240x64xf32, #tpu.memory_space<vmem_shared>> -> memref<10240x64xf32, #tpu.memory_space<vmem_shared>>
        tpu.enqueue_indirect_dma source(%arg9 : memref<128x64xf32, #tpu.memory_space<vmem>>) target(%dma_start3A_116 : memref<10240x64xf32, #tpu.memory_space<vmem_shared>>) offsets(%dma_start3A_113 : memref<128xi32, #tpu.memory_space<vmem>>) semaphore(%run_scoped3A : memref<!tpu.dma_semaphore, #tpu.memory_space<semaphore_mem>>) {add = true}
        %dma_wait3A_117 = arith.constant 0 : i32
        %dma_wait3A_118 = tpu.memref_slice %arg8[%add3A_56, %dma_wait3A_117] : memref<40x128xi32, #tpu.memory_space<vmem>> -> memref<1x128xi32, #tpu.memory_space<vmem>>
        %dma_wait3A_119 = tpu.memref_squeeze %dma_wait3A_118 : memref<1x128xi32, #tpu.memory_space<vmem>> -> memref<128xi32, #tpu.memory_space<vmem>>
        %dma_wait3A_120 = arith.constant 0 : i32
        %dma_wait3A_121 = arith.constant 0 : i32
        %dma_wait3A_122 = tpu.memref_slice %arg13[%dma_wait3A_120, %dma_wait3A_121] : memref<10240x64xf32, #tpu.memory_space<vmem_shared>> -> memref<10240x64xf32, #tpu.memory_space<vmem_shared>>
        tpu.wait_indirect_dma semaphore(%run_scoped3A : memref<!tpu.dma_semaphore, #tpu.memory_space<semaphore_mem>>) src(%arg9 : memref<128x64xf32, #tpu.memory_space<vmem>>) dst(%dma_wait3A_122 : memref<10240x64xf32, #tpu.memory_space<vmem_shared>>)
        tpu.yield
      }) : () -> ()
      %add3A_57 = arith.constant 1 : i32
      %add3A_58 = arith.addi %add3A_37, %add3A_57 : i32
      %add3A_59 = arith.constant 3 : i32
      %add3A_60 = arith.addi %add3A_58, %add3A_59 : i32
      %lt3A = arith.constant 40 : i32
      %lt3A_61 = arith.cmpi slt, %add3A_60, %lt3A : i32
      %convert_element_type3A = arith.extui %lt3A_61 : i1 to i32
      %cond3A = arith.constant 0 : i32
      %cond3A_62 = arith.cmpi ne, %convert_element_type3A, %cond3A : i32
      scf.if %cond3A_62 {
        %dma_start3A_111 = arith.constant 0 : i32
        %dma_start3A_112 = tpu.memref_slice %arg7[%add3A_60, %dma_start3A_111] : memref<40x128xi32, #tpu.memory_space<vmem>> -> memref<1x128xi32, #tpu.memory_space<vmem>>
        %dma_start3A_113 = tpu.memref_squeeze %dma_start3A_112 : memref<1x128xi32, #tpu.memory_space<vmem>> -> memref<128xi32, #tpu.memory_space<vmem>>
        %dma_start3A_114 = arith.constant 0 : i32
        %dma_start3A_115 = arith.constant 0 : i32
        %dma_start3A_116 = tpu.memref_slice %arg2[%dma_start3A_114, %dma_start3A_115] : memref<10000x64xf32, #tpu.memory_space<hbm>> -> memref<10000x64xf32, #tpu.memory_space<hbm>>
        tpu.enqueue_indirect_dma source(%dma_start3A_116 : memref<10000x64xf32, #tpu.memory_space<hbm>>) target(%arg9 : memref<128x64xf32, #tpu.memory_space<vmem>>) offsets(%dma_start3A_113 : memref<128xi32, #tpu.memory_space<vmem>>) semaphore(%arg14 : memref<!tpu.dma_semaphore, #tpu.memory_space<semaphore_mem>>)
      } else {
      }
      %add3A_63 = arith.constant 1 : i32
      %add3A_64 = arith.addi %add3A_37, %add3A_63 : i32
      %dma_wait3A_65 = arith.constant 0 : i32
      %dma_wait3A_66 = tpu.memref_slice %arg7[%add3A_64, %dma_wait3A_65] : memref<40x128xi32, #tpu.memory_space<vmem>> -> memref<1x128xi32, #tpu.memory_space<vmem>>
      %dma_wait3A_67 = tpu.memref_squeeze %dma_wait3A_66 : memref<1x128xi32, #tpu.memory_space<vmem>> -> memref<128xi32, #tpu.memory_space<vmem>>
      %dma_wait3A_68 = arith.constant 0 : i32
      %dma_wait3A_69 = arith.constant 0 : i32
      %dma_wait3A_70 = tpu.memref_slice %arg2[%dma_wait3A_68, %dma_wait3A_69] : memref<10000x64xf32, #tpu.memory_space<hbm>> -> memref<10000x64xf32, #tpu.memory_space<hbm>>
      tpu.wait_indirect_dma semaphore(%arg15 : memref<!tpu.dma_semaphore, #tpu.memory_space<semaphore_mem>>) src(%dma_wait3A_70 : memref<10000x64xf32, #tpu.memory_space<hbm>>) dst(%arg10 : memref<128x64xf32, #tpu.memory_space<vmem>>)
      %add3A_71 = arith.constant 1 : i32
      %add3A_72 = arith.addi %add3A_37, %add3A_71 : i32
      "tpu.region"() ({
        %run_scoped3A = tpu.sem_alloc : memref<!tpu.dma_semaphore, #tpu.memory_space<semaphore_mem>>
        %dma_start3A_111 = arith.constant 0 : i32
        %dma_start3A_112 = tpu.memref_slice %arg8[%add3A_72, %dma_start3A_111] : memref<40x128xi32, #tpu.memory_space<vmem>> -> memref<1x128xi32, #tpu.memory_space<vmem>>
        %dma_start3A_113 = tpu.memref_squeeze %dma_start3A_112 : memref<1x128xi32, #tpu.memory_space<vmem>> -> memref<128xi32, #tpu.memory_space<vmem>>
        %dma_start3A_114 = arith.constant 0 : i32
        %dma_start3A_115 = arith.constant 0 : i32
        %dma_start3A_116 = tpu.memref_slice %arg13[%dma_start3A_114, %dma_start3A_115] : memref<10240x64xf32, #tpu.memory_space<vmem_shared>> -> memref<10240x64xf32, #tpu.memory_space<vmem_shared>>
        tpu.enqueue_indirect_dma source(%arg10 : memref<128x64xf32, #tpu.memory_space<vmem>>) target(%dma_start3A_116 : memref<10240x64xf32, #tpu.memory_space<vmem_shared>>) offsets(%dma_start3A_113 : memref<128xi32, #tpu.memory_space<vmem>>) semaphore(%run_scoped3A : memref<!tpu.dma_semaphore, #tpu.memory_space<semaphore_mem>>) {add = true}
        %dma_wait3A_117 = arith.constant 0 : i32
        %dma_wait3A_118 = tpu.memref_slice %arg8[%add3A_72, %dma_wait3A_117] : memref<40x128xi32, #tpu.memory_space<vmem>> -> memref<1x128xi32, #tpu.memory_space<vmem>>
        %dma_wait3A_119 = tpu.memref_squeeze %dma_wait3A_118 : memref<1x128xi32, #tpu.memory_space<vmem>> -> memref<128xi32, #tpu.memory_space<vmem>>
        %dma_wait3A_120 = arith.constant 0 : i32
        %dma_wait3A_121 = arith.constant 0 : i32
        %dma_wait3A_122 = tpu.memref_slice %arg13[%dma_wait3A_120, %dma_wait3A_121] : memref<10240x64xf32, #tpu.memory_space<vmem_shared>> -> memref<10240x64xf32, #tpu.memory_space<vmem_shared>>
        tpu.wait_indirect_dma semaphore(%run_scoped3A : memref<!tpu.dma_semaphore, #tpu.memory_space<semaphore_mem>>) src(%arg10 : memref<128x64xf32, #tpu.memory_space<vmem>>) dst(%dma_wait3A_122 : memref<10240x64xf32, #tpu.memory_space<vmem_shared>>)
        tpu.yield
      }) : () -> ()
      %add3A_73 = arith.constant 2 : i32
      %add3A_74 = arith.addi %add3A_37, %add3A_73 : i32
      %add3A_75 = arith.constant 3 : i32
      %add3A_76 = arith.addi %add3A_74, %add3A_75 : i32
      %lt3A_77 = arith.constant 40 : i32
      %lt3A_78 = arith.cmpi slt, %add3A_76, %lt3A_77 : i32
      %convert_element_type3A_79 = arith.extui %lt3A_78 : i1 to i32
      %cond3A_80 = arith.constant 0 : i32
      %cond3A_81 = arith.cmpi ne, %convert_element_type3A_79, %cond3A_80 : i32
      scf.if %cond3A_81 {
        %dma_start3A_111 = arith.constant 0 : i32
        %dma_start3A_112 = tpu.memref_slice %arg7[%add3A_76, %dma_start3A_111] : memref<40x128xi32, #tpu.memory_space<vmem>> -> memref<1x128xi32, #tpu.memory_space<vmem>>
        %dma_start3A_113 = tpu.memref_squeeze %dma_start3A_112 : memref<1x128xi32, #tpu.memory_space<vmem>> -> memref<128xi32, #tpu.memory_space<vmem>>
        %dma_start3A_114 = arith.constant 0 : i32
        %dma_start3A_115 = arith.constant 0 : i32
        %dma_start3A_116 = tpu.memref_slice %arg2[%dma_start3A_114, %dma_start3A_115] : memref<10000x64xf32, #tpu.memory_space<hbm>> -> memref<10000x64xf32, #tpu.memory_space<hbm>>
        tpu.enqueue_indirect_dma source(%dma_start3A_116 : memref<10000x64xf32, #tpu.memory_space<hbm>>) target(%arg10 : memref<128x64xf32, #tpu.memory_space<vmem>>) offsets(%dma_start3A_113 : memref<128xi32, #tpu.memory_space<vmem>>) semaphore(%arg15 : memref<!tpu.dma_semaphore, #tpu.memory_space<semaphore_mem>>)
      } else {
      }
      %add3A_82 = arith.constant 2 : i32
      %add3A_83 = arith.addi %add3A_37, %add3A_82 : i32
      %dma_wait3A_84 = arith.constant 0 : i32
      %dma_wait3A_85 = tpu.memref_slice %arg7[%add3A_83, %dma_wait3A_84] : memref<40x128xi32, #tpu.memory_space<vmem>> -> memref<1x128xi32, #tpu.memory_space<vmem>>
      %dma_wait3A_86 = tpu.memref_squeeze %dma_wait3A_85 : memref<1x128xi32, #tpu.memory_space<vmem>> -> memref<128xi32, #tpu.memory_space<vmem>>
      %dma_wait3A_87 = arith.constant 0 : i32
      %dma_wait3A_88 = arith.constant 0 : i32
      %dma_wait3A_89 = tpu.memref_slice %arg2[%dma_wait3A_87, %dma_wait3A_88] : memref<10000x64xf32, #tpu.memory_space<hbm>> -> memref<10000x64xf32, #tpu.memory_space<hbm>>
      tpu.wait_indirect_dma semaphore(%arg16 : memref<!tpu.dma_semaphore, #tpu.memory_space<semaphore_mem>>) src(%dma_wait3A_89 : memref<10000x64xf32, #tpu.memory_space<hbm>>) dst(%arg11 : memref<128x64xf32, #tpu.memory_space<vmem>>)
      %add3A_90 = arith.constant 2 : i32
      %add3A_91 = arith.addi %add3A_37, %add3A_90 : i32
      "tpu.region"() ({
        %run_scoped3A = tpu.sem_alloc : memref<!tpu.dma_semaphore, #tpu.memory_space<semaphore_mem>>
        %dma_start3A_111 = arith.constant 0 : i32
        %dma_start3A_112 = tpu.memref_slice %arg8[%add3A_91, %dma_start3A_111] : memref<40x128xi32, #tpu.memory_space<vmem>> -> memref<1x128xi32, #tpu.memory_space<vmem>>
        %dma_start3A_113 = tpu.memref_squeeze %dma_start3A_112 : memref<1x128xi32, #tpu.memory_space<vmem>> -> memref<128xi32, #tpu.memory_space<vmem>>
        %dma_start3A_114 = arith.constant 0 : i32
        %dma_start3A_115 = arith.constant 0 : i32
        %dma_start3A_116 = tpu.memref_slice %arg13[%dma_start3A_114, %dma_start3A_115] : memref<10240x64xf32, #tpu.memory_space<vmem_shared>> -> memref<10240x64xf32, #tpu.memory_space<vmem_shared>>
        tpu.enqueue_indirect_dma source(%arg11 : memref<128x64xf32, #tpu.memory_space<vmem>>) target(%dma_start3A_116 : memref<10240x64xf32, #tpu.memory_space<vmem_shared>>) offsets(%dma_start3A_113 : memref<128xi32, #tpu.memory_space<vmem>>) semaphore(%run_scoped3A : memref<!tpu.dma_semaphore, #tpu.memory_space<semaphore_mem>>) {add = true}
        %dma_wait3A_117 = arith.constant 0 : i32
        %dma_wait3A_118 = tpu.memref_slice %arg8[%add3A_91, %dma_wait3A_117] : memref<40x128xi32, #tpu.memory_space<vmem>> -> memref<1x128xi32, #tpu.memory_space<vmem>>
        %dma_wait3A_119 = tpu.memref_squeeze %dma_wait3A_118 : memref<1x128xi32, #tpu.memory_space<vmem>> -> memref<128xi32, #tpu.memory_space<vmem>>
        %dma_wait3A_120 = arith.constant 0 : i32
        %dma_wait3A_121 = arith.constant 0 : i32
        %dma_wait3A_122 = tpu.memref_slice %arg13[%dma_wait3A_120, %dma_wait3A_121] : memref<10240x64xf32, #tpu.memory_space<vmem_shared>> -> memref<10240x64xf32, #tpu.memory_space<vmem_shared>>
        tpu.wait_indirect_dma semaphore(%run_scoped3A : memref<!tpu.dma_semaphore, #tpu.memory_space<semaphore_mem>>) src(%arg11 : memref<128x64xf32, #tpu.memory_space<vmem>>) dst(%dma_wait3A_122 : memref<10240x64xf32, #tpu.memory_space<vmem_shared>>)
        tpu.yield
      }) : () -> ()
      %add3A_92 = arith.constant 3 : i32
      %add3A_93 = arith.addi %add3A_37, %add3A_92 : i32
      %add3A_94 = arith.constant 3 : i32
      %add3A_95 = arith.addi %add3A_93, %add3A_94 : i32
      %lt3A_96 = arith.constant 40 : i32
      %lt3A_97 = arith.cmpi slt, %add3A_95, %lt3A_96 : i32
      %convert_element_type3A_98 = arith.extui %lt3A_97 : i1 to i32
      %cond3A_99 = arith.constant 0 : i32
      %cond3A_100 = arith.cmpi ne, %convert_element_type3A_98, %cond3A_99 : i32
      scf.if %cond3A_100 {
        %dma_start3A_111 = arith.constant 0 : i32
        %dma_start3A_112 = tpu.memref_slice %arg7[%add3A_95, %dma_start3A_111] : memref<40x128xi32, #tpu.memory_space<vmem>> -> memref<1x128xi32, #tpu.memory_space<vmem>>
        %dma_start3A_113 = tpu.memref_squeeze %dma_start3A_112 : memref<1x128xi32, #tpu.memory_space<vmem>> -> memref<128xi32, #tpu.memory_space<vmem>>
        %dma_start3A_114 = arith.constant 0 : i32
        %dma_start3A_115 = arith.constant 0 : i32
        %dma_start3A_116 = tpu.memref_slice %arg2[%dma_start3A_114, %dma_start3A_115] : memref<10000x64xf32, #tpu.memory_space<hbm>> -> memref<10000x64xf32, #tpu.memory_space<hbm>>
        tpu.enqueue_indirect_dma source(%dma_start3A_116 : memref<10000x64xf32, #tpu.memory_space<hbm>>) target(%arg11 : memref<128x64xf32, #tpu.memory_space<vmem>>) offsets(%dma_start3A_113 : memref<128xi32, #tpu.memory_space<vmem>>) semaphore(%arg16 : memref<!tpu.dma_semaphore, #tpu.memory_space<semaphore_mem>>)
      } else {
      }
      %add3A_101 = arith.constant 3 : i32
      %add3A_102 = arith.addi %add3A_37, %add3A_101 : i32
      %dma_wait3A_103 = arith.constant 0 : i32
      %dma_wait3A_104 = tpu.memref_slice %arg7[%add3A_102, %dma_wait3A_103] : memref<40x128xi32, #tpu.memory_space<vmem>> -> memref<1x128xi32, #tpu.memory_space<vmem>>
      %dma_wait3A_105 = tpu.memref_squeeze %dma_wait3A_104 : memref<1x128xi32, #tpu.memory_space<vmem>> -> memref<128xi32, #tpu.memory_space<vmem>>
      %dma_wait3A_106 = arith.constant 0 : i32
      %dma_wait3A_107 = arith.constant 0 : i32
      %dma_wait3A_108 = tpu.memref_slice %arg2[%dma_wait3A_106, %dma_wait3A_107] : memref<10000x64xf32, #tpu.memory_space<hbm>> -> memref<10000x64xf32, #tpu.memory_space<hbm>>
      tpu.wait_indirect_dma semaphore(%arg17 : memref<!tpu.dma_semaphore, #tpu.memory_space<semaphore_mem>>) src(%dma_wait3A_108 : memref<10000x64xf32, #tpu.memory_space<hbm>>) dst(%arg12 : memref<128x64xf32, #tpu.memory_space<vmem>>)
      %add3A_109 = arith.constant 3 : i32
      %add3A_110 = arith.addi %add3A_37, %add3A_109 : i32
      "tpu.region"() ({
        %run_scoped3A = tpu.sem_alloc : memref<!tpu.dma_semaphore, #tpu.memory_space<semaphore_mem>>
        %dma_start3A_111 = arith.constant 0 : i32
        %dma_start3A_112 = tpu.memref_slice %arg8[%add3A_110, %dma_start3A_111] : memref<40x128xi32, #tpu.memory_space<vmem>> -> memref<1x128xi32, #tpu.memory_space<vmem>>
        %dma_start3A_113 = tpu.memref_squeeze %dma_start3A_112 : memref<1x128xi32, #tpu.memory_space<vmem>> -> memref<128xi32, #tpu.memory_space<vmem>>
        %dma_start3A_114 = arith.constant 0 : i32
        %dma_start3A_115 = arith.constant 0 : i32
        %dma_start3A_116 = tpu.memref_slice %arg13[%dma_start3A_114, %dma_start3A_115] : memref<10240x64xf32, #tpu.memory_space<vmem_shared>> -> memref<10240x64xf32, #tpu.memory_space<vmem_shared>>
        tpu.enqueue_indirect_dma source(%arg12 : memref<128x64xf32, #tpu.memory_space<vmem>>) target(%dma_start3A_116 : memref<10240x64xf32, #tpu.memory_space<vmem_shared>>) offsets(%dma_start3A_113 : memref<128xi32, #tpu.memory_space<vmem>>) semaphore(%run_scoped3A : memref<!tpu.dma_semaphore, #tpu.memory_space<semaphore_mem>>) {add = true}
        %dma_wait3A_117 = arith.constant 0 : i32
        %dma_wait3A_118 = tpu.memref_slice %arg8[%add3A_110, %dma_wait3A_117] : memref<40x128xi32, #tpu.memory_space<vmem>> -> memref<1x128xi32, #tpu.memory_space<vmem>>
        %dma_wait3A_119 = tpu.memref_squeeze %dma_wait3A_118 : memref<1x128xi32, #tpu.memory_space<vmem>> -> memref<128xi32, #tpu.memory_space<vmem>>
        %dma_wait3A_120 = arith.constant 0 : i32
        %dma_wait3A_121 = arith.constant 0 : i32
        %dma_wait3A_122 = tpu.memref_slice %arg13[%dma_wait3A_120, %dma_wait3A_121] : memref<10240x64xf32, #tpu.memory_space<vmem_shared>> -> memref<10240x64xf32, #tpu.memory_space<vmem_shared>>
        tpu.wait_indirect_dma semaphore(%run_scoped3A : memref<!tpu.dma_semaphore, #tpu.memory_space<semaphore_mem>>) src(%arg12 : memref<128x64xf32, #tpu.memory_space<vmem>>) dst(%dma_wait3A_122 : memref<10240x64xf32, #tpu.memory_space<vmem_shared>>)
        tpu.yield
      }) : () -> ()
    }
    %scan3A_31 = arith.constant 10 : i32
    %barrier3A_32 = arith.constant 0 : index
    tpu.barrier barrier_id(%barrier3A_32)
    "tpu.region"() ({
      %run_scoped3A = tpu.sem_alloc : memref<!tpu.dma_semaphore, #tpu.memory_space<semaphore_mem>>
      %dma_start3A_33 = arith.constant 0 : i32
      %dma_start3A_34 = tpu.memref_slice %arg6[%arg0, %mul3A_2, %dma_start3A_33] : memref<2x10240x64xf32, #tpu.memory_space<hbm>> -> memref<1x640x64xf32, #tpu.memory_space<hbm>>
      %dma_start3A_35 = tpu.memref_squeeze %dma_start3A_34 : memref<1x640x64xf32, #tpu.memory_space<hbm>> -> memref<640x64xf32, #tpu.memory_space<hbm>>
      %dma_start3A_36 = arith.constant 0 : i32
      %dma_start3A_37 = tpu.memref_slice %arg13[%mul3A_2, %dma_start3A_36] : memref<10240x64xf32, #tpu.memory_space<vmem_shared>> -> memref<640x64xf32, #tpu.memory_space<vmem_shared>>
      tpu.enqueue_dma source(%dma_start3A_37 : memref<640x64xf32, #tpu.memory_space<vmem_shared>>) target(%dma_start3A_35 : memref<640x64xf32, #tpu.memory_space<hbm>>) target_semaphore(%run_scoped3A : memref<!tpu.dma_semaphore, #tpu.memory_space<semaphore_mem>>)
      %dma_wait3A = arith.constant 0 : i32
      %dma_wait3A_38 = tpu.memref_slice %arg6[%arg0, %mul3A_2, %dma_wait3A] : memref<2x10240x64xf32, #tpu.memory_space<hbm>> -> memref<1x640x64xf32, #tpu.memory_space<hbm>>
      %dma_wait3A_39 = tpu.memref_squeeze %dma_wait3A_38 : memref<1x640x64xf32, #tpu.memory_space<hbm>> -> memref<640x64xf32, #tpu.memory_space<hbm>>
      %dma_wait3A_40 = arith.constant 0 : i32
      %dma_wait3A_41 = tpu.memref_slice %arg13[%mul3A_2, %dma_wait3A_40] : memref<10240x64xf32, #tpu.memory_space<vmem_shared>> -> memref<640x64xf32, #tpu.memory_space<vmem_shared>>
      tpu.wait_dma2 semaphore(%run_scoped3A : memref<!tpu.dma_semaphore, #tpu.memory_space<semaphore_mem>>) src(%dma_wait3A_41 : memref<640x64xf32, #tpu.memory_space<vmem_shared>>) dst(%dma_wait3A_39 : memref<640x64xf32, #tpu.memory_space<hbm>>)
      tpu.yield
    }) : () -> ()
    return
  }
}

module attributes {stable_mosaic.version = 14 : i64} {
  func.func @body(%arg0: i32, %arg1: memref<1000x256xf32, #tpu.memory_space<vmem>>, %arg2: memref<1000x256xf32, #tpu.memory_space<vmem>>, %arg3: memref<256x64xf32, #tpu.memory_space<vmem>>, %arg4: memref<1000x2xf32, #tpu.memory_space<vmem>>, %arg5: memref<1000x2xf32, #tpu.memory_space<vmem>>, %arg6: memref<1000x128xf32, #tpu.memory_space<vmem>>) attributes {dimension_semantics = [#tpu.dimension_semantics<arbitrary>], iteration_bounds = array<i64: 5>, scalar_prefetch = 0 : i64, scratch_operands = 0 : i64, tpu.core_type = #tpu.core_type<tc>, window_params = [{transform_indices = @transform_0, window_bounds = array<i64: 1000, 256>}, {transform_indices = @transform_1, window_bounds = array<i64: 1000, 256>}, {pipeline_mode = #tpu.pipeline_mode<synchronous>, transform_indices = @transform_2, window_bounds = array<i64: 256, 64>}, {transform_indices = @transform_3, window_bounds = array<i64: 1000, 2>}, {transform_indices = @transform_4, window_bounds = array<i64: 1000, 2>}, {transform_indices = @transform_5, window_bounds = array<i64: 1000, 128>}]} {
    %get3A = arith.constant 0 : index
    %get3A_0 = arith.constant 0 : index
    %get3A_1 = vector.load %arg4[%get3A, %get3A_0] : memref<1000x2xf32, #tpu.memory_space<vmem>>, vector<1000x1xf32>
    %get3A_2 = arith.constant 0 : index
    %get3A_3 = arith.constant 1 : index
    %get3A_4 = vector.load %arg4[%get3A_2, %get3A_3] : memref<1000x2xf32, #tpu.memory_space<vmem>>, vector<1000x1xf32>
    %add3A = arith.addf %get3A_1, %get3A_4 : vector<1000x1xf32>
    %add3A_5 = arith.constant 1.000000e+00 : f32
    %add3A_6 = vector.broadcast %add3A_5 : f32 to vector<1000x1xf32>
    %add3A_7 = arith.addf %add3A, %add3A_6 : vector<1000x1xf32>
    %rsqrt3A = math.rsqrt %add3A_7 : vector<1000x1xf32>
    %get3A_8 = arith.constant 0 : index
    %get3A_9 = arith.constant 0 : index
    %get3A_10 = vector.load %arg5[%get3A_8, %get3A_9] : memref<1000x2xf32, #tpu.memory_space<vmem>>, vector<1000x1xf32>
    %get3A_11 = arith.constant 0 : index
    %get3A_12 = arith.constant 1 : index
    %get3A_13 = vector.load %arg5[%get3A_11, %get3A_12] : memref<1000x2xf32, #tpu.memory_space<vmem>>, vector<1000x1xf32>
    %add3A_14 = arith.addf %get3A_10, %get3A_13 : vector<1000x1xf32>
    %add3A_15 = arith.constant 1.000000e+00 : f32
    %add3A_16 = vector.broadcast %add3A_15 : f32 to vector<1000x1xf32>
    %add3A_17 = arith.addf %add3A_14, %add3A_16 : vector<1000x1xf32>
    %rsqrt3A_18 = math.rsqrt %add3A_17 : vector<1000x1xf32>
    %get3A_19 = arith.constant 0 : index
    %get3A_20 = arith.constant 0 : index
    %get3A_21 = vector.load %arg3[%get3A_19, %get3A_20] : memref<256x64xf32, #tpu.memory_space<vmem>>, vector<256x64xf32>
    %get3A_22 = arith.constant 0 : index
    %get3A_23 = arith.constant 0 : index
    %get3A_24 = vector.load %arg1[%get3A_22, %get3A_23] : memref<1000x256xf32, #tpu.memory_space<vmem>>, vector<1000x256xf32>
    %convert_element_type3A = arith.truncf %get3A_24 : vector<1000x256xf32> to vector<1000x256xbf16>
    %convert_element_type3A_25 = arith.extf %convert_element_type3A : vector<1000x256xbf16> to vector<1000x256xf32>
    %sub3A = arith.subf %get3A_24, %convert_element_type3A_25 : vector<1000x256xf32>
    %convert_element_type3A_26 = arith.truncf %sub3A : vector<1000x256xf32> to vector<1000x256xbf16>
    %convert_element_type3A_27 = arith.truncf %get3A_21 : vector<256x64xf32> to vector<256x64xbf16>
    %convert_element_type3A_28 = arith.extf %convert_element_type3A_27 : vector<256x64xbf16> to vector<256x64xf32>
    %sub3A_29 = arith.subf %get3A_21, %convert_element_type3A_28 : vector<256x64xf32>
    %convert_element_type3A_30 = arith.truncf %sub3A_29 : vector<256x64xf32> to vector<256x64xbf16>
    %dot_general3A = arith.constant dense<0.000000e+00> : vector<1000x64xf32>
    %dot_general3A_31 = tpu.matmul %convert_element_type3A, %convert_element_type3A_27, %dot_general3A {dimension_numbers = #tpu.dot_dimension_numbers<[1], [0], [0], [1], [0, 0, 1, 1], [], []>, transpose_lhs_hint = false} : vector<1000x256xbf16>, vector<256x64xbf16>, vector<1000x64xf32> -> vector<1000x64xf32>
    %dot_general3A_32 = arith.constant dense<0.000000e+00> : vector<1000x64xf32>
    %dot_general3A_33 = tpu.matmul %convert_element_type3A_26, %convert_element_type3A_27, %dot_general3A_32 {dimension_numbers = #tpu.dot_dimension_numbers<[1], [0], [0], [1], [0, 0, 1, 1], [], []>, transpose_lhs_hint = false} : vector<1000x256xbf16>, vector<256x64xbf16>, vector<1000x64xf32> -> vector<1000x64xf32>
    %add3A_34 = arith.addf %dot_general3A_31, %dot_general3A_33 : vector<1000x64xf32>
    %dot_general3A_35 = arith.constant dense<0.000000e+00> : vector<1000x64xf32>
    %dot_general3A_36 = tpu.matmul %convert_element_type3A, %convert_element_type3A_30, %dot_general3A_35 {dimension_numbers = #tpu.dot_dimension_numbers<[1], [0], [0], [1], [0, 0, 1, 1], [], []>, transpose_lhs_hint = false} : vector<1000x256xbf16>, vector<256x64xbf16>, vector<1000x64xf32> -> vector<1000x64xf32>
    %add3A_37 = arith.addf %add3A_34, %dot_general3A_36 : vector<1000x64xf32>
    %mul3A = vector.broadcast %rsqrt3A : vector<1000x1xf32> to vector<1000x64xf32>
    %mul3A_38 = arith.mulf %add3A_37, %mul3A : vector<1000x64xf32>
    %get3A_39 = arith.constant 0 : index
    %get3A_40 = arith.constant 0 : index
    %get3A_41 = vector.load %arg2[%get3A_39, %get3A_40] : memref<1000x256xf32, #tpu.memory_space<vmem>>, vector<1000x256xf32>
    %convert_element_type3A_42 = arith.truncf %get3A_41 : vector<1000x256xf32> to vector<1000x256xbf16>
    %convert_element_type3A_43 = arith.extf %convert_element_type3A_42 : vector<1000x256xbf16> to vector<1000x256xf32>
    %sub3A_44 = arith.subf %get3A_41, %convert_element_type3A_43 : vector<1000x256xf32>
    %convert_element_type3A_45 = arith.truncf %sub3A_44 : vector<1000x256xf32> to vector<1000x256xbf16>
    %convert_element_type3A_46 = arith.truncf %get3A_21 : vector<256x64xf32> to vector<256x64xbf16>
    %convert_element_type3A_47 = arith.extf %convert_element_type3A_46 : vector<256x64xbf16> to vector<256x64xf32>
    %sub3A_48 = arith.subf %get3A_21, %convert_element_type3A_47 : vector<256x64xf32>
    %convert_element_type3A_49 = arith.truncf %sub3A_48 : vector<256x64xf32> to vector<256x64xbf16>
    %dot_general3A_50 = arith.constant dense<0.000000e+00> : vector<1000x64xf32>
    %dot_general3A_51 = tpu.matmul %convert_element_type3A_42, %convert_element_type3A_46, %dot_general3A_50 {dimension_numbers = #tpu.dot_dimension_numbers<[1], [0], [0], [1], [0, 0, 1, 1], [], []>, transpose_lhs_hint = false} : vector<1000x256xbf16>, vector<256x64xbf16>, vector<1000x64xf32> -> vector<1000x64xf32>
    %dot_general3A_52 = arith.constant dense<0.000000e+00> : vector<1000x64xf32>
    %dot_general3A_53 = tpu.matmul %convert_element_type3A_45, %convert_element_type3A_46, %dot_general3A_52 {dimension_numbers = #tpu.dot_dimension_numbers<[1], [0], [0], [1], [0, 0, 1, 1], [], []>, transpose_lhs_hint = false} : vector<1000x256xbf16>, vector<256x64xbf16>, vector<1000x64xf32> -> vector<1000x64xf32>
    %add3A_54 = arith.addf %dot_general3A_51, %dot_general3A_53 : vector<1000x64xf32>
    %dot_general3A_55 = arith.constant dense<0.000000e+00> : vector<1000x64xf32>
    %dot_general3A_56 = tpu.matmul %convert_element_type3A_42, %convert_element_type3A_49, %dot_general3A_55 {dimension_numbers = #tpu.dot_dimension_numbers<[1], [0], [0], [1], [0, 0, 1, 1], [], []>, transpose_lhs_hint = false} : vector<1000x256xbf16>, vector<256x64xbf16>, vector<1000x64xf32> -> vector<1000x64xf32>
    %add3A_57 = arith.addf %add3A_54, %dot_general3A_56 : vector<1000x64xf32>
    %mul3A_58 = vector.broadcast %rsqrt3A_18 : vector<1000x1xf32> to vector<1000x64xf32>
    %mul3A_59 = arith.mulf %add3A_57, %mul3A_58 : vector<1000x64xf32>
    %concatenate3A = tpu.concatenate %mul3A_38, %mul3A_59 in 1 : vector<1000x64xf32>, vector<1000x64xf32> -> vector<1000x128xf32>
    %swap3A = arith.constant 0 : index
    %swap3A_60 = arith.constant 0 : index
    %swap3A_61 = vector.load %arg6[%swap3A, %swap3A_60] : memref<1000x128xf32, #tpu.memory_space<vmem>>, vector<1000x128xf32>
    tpu.vector_store %arg6[%swap3A, %swap3A_60], %concatenate3A {strides = array<i32>} : memref<1000x128xf32, #tpu.memory_space<vmem>>, vector<1000x128xf32>,
    return
  }
  func.func @transform_0(%arg0: i32) -> (i32, i32) {
    %c0_i32 = arith.constant 0 : i32
    %c0_i32_0 = arith.constant 0 : i32
    return %arg0, %c0_i32 : i32, i32
  }
  func.func @transform_1(%arg0: i32) -> (i32, i32) {
    %add3A = arith.constant 5 : i32
    %add3A_0 = arith.addi %arg0, %add3A : i32
    %c0_i32 = arith.constant 0 : i32
    %c0_i32_1 = arith.constant 0 : i32
    return %add3A_0, %c0_i32 : i32, i32
  }
  func.func @transform_2(%arg0: i32) -> (i32, i32) {
    %c0_i32 = arith.constant 0 : i32
    %c0_i32_0 = arith.constant 0 : i32
    %c0_i32_1 = arith.constant 0 : i32
    return %c0_i32, %c0_i32_0 : i32, i32
  }
  func.func @transform_3(%arg0: i32) -> (i32, i32) {
    %c0_i32 = arith.constant 0 : i32
    %c0_i32_0 = arith.constant 0 : i32
    return %arg0, %c0_i32 : i32, i32
  }
  func.func @transform_4(%arg0: i32) -> (i32, i32) {
    %add3A = arith.constant 5 : i32
    %add3A_0 = arith.addi %arg0, %add3A : i32
    %c0_i32 = arith.constant 0 : i32
    %c0_i32_1 = arith.constant 0 : i32
    return %add3A_0, %c0_i32 : i32, i32
  }
  func.func @transform_5(%arg0: i32) -> (i32, i32) {
    %c0_i32 = arith.constant 0 : i32
    %c0_i32_0 = arith.constant 0 : i32
    return %arg0, %c0_i32 : i32, i32
  }
}

module attributes {stable_mosaic.version = 14 : i64} {
  func.func @body(%arg0: i32, %arg1: memref<2x1000x128xf32, #tpu.memory_space<vmem>>, %arg2: memref<1000x128xf32, #tpu.memory_space<vmem>>, %arg3: memref<1000x2xf32, #tpu.memory_space<vmem>>, %arg4: memref<1000x2xf32, #tpu.memory_space<vmem>>, %arg5: memref<1x128xf32, #tpu.memory_space<vmem>>, %arg6: memref<128x128xf32, #tpu.memory_space<vmem>>, %arg7: memref<1000x128xf32, #tpu.memory_space<vmem>>) attributes {dimension_semantics = [#tpu.dimension_semantics<arbitrary>], iteration_bounds = array<i64: 5>, scalar_prefetch = 0 : i64, scratch_operands = 0 : i64, tpu.core_type = #tpu.core_type<tc>, window_params = [{transform_indices = @transform_0, window_bounds = array<i64: 2, 1000, 128>}, {transform_indices = @transform_1, window_bounds = array<i64: 1000, 128>}, {transform_indices = @transform_2, window_bounds = array<i64: 1000, 2>}, {transform_indices = @transform_3, window_bounds = array<i64: 1000, 2>}, {pipeline_mode = #tpu.pipeline_mode<synchronous>, transform_indices = @transform_4, window_bounds = array<i64: 1, 128>}, {pipeline_mode = #tpu.pipeline_mode<synchronous>, transform_indices = @transform_5, window_bounds = array<i64: 128, 128>}, {transform_indices = @transform_6, window_bounds = array<i64: 1000, 128>}]} {
    %get3A = arith.constant 0 : index
    %get3A_0 = arith.constant 0 : index
    %get3A_1 = vector.load %arg3[%get3A, %get3A_0] : memref<1000x2xf32, #tpu.memory_space<vmem>>, vector<1000x1xf32>
    %get3A_2 = arith.constant 0 : index
    %get3A_3 = arith.constant 1 : index
    %get3A_4 = vector.load %arg3[%get3A_2, %get3A_3] : memref<1000x2xf32, #tpu.memory_space<vmem>>, vector<1000x1xf32>
    %add3A = arith.addf %get3A_1, %get3A_4 : vector<1000x1xf32>
    %add3A_5 = arith.constant 1.000000e+00 : f32
    %add3A_6 = vector.broadcast %add3A_5 : f32 to vector<1000x1xf32>
    %add3A_7 = arith.addf %add3A, %add3A_6 : vector<1000x1xf32>
    %rsqrt3A = math.rsqrt %add3A_7 : vector<1000x1xf32>
    %get3A_8 = arith.constant 0 : index
    %get3A_9 = arith.constant 0 : index
    %get3A_10 = vector.load %arg4[%get3A_8, %get3A_9] : memref<1000x2xf32, #tpu.memory_space<vmem>>, vector<1000x1xf32>
    %get3A_11 = arith.constant 0 : index
    %get3A_12 = arith.constant 1 : index
    %get3A_13 = vector.load %arg4[%get3A_11, %get3A_12] : memref<1000x2xf32, #tpu.memory_space<vmem>>, vector<1000x1xf32>
    %add3A_14 = arith.addf %get3A_10, %get3A_13 : vector<1000x1xf32>
    %add3A_15 = arith.constant 1.000000e+00 : f32
    %add3A_16 = vector.broadcast %add3A_15 : f32 to vector<1000x1xf32>
    %add3A_17 = arith.addf %add3A_14, %add3A_16 : vector<1000x1xf32>
    %rsqrt3A_18 = math.rsqrt %add3A_17 : vector<1000x1xf32>
    %broadcast_in_dim3A = vector.shape_cast %rsqrt3A : vector<1000x1xf32> to vector<1000x1xf32>
    %broadcast_in_dim3A_19 = vector.broadcast %broadcast_in_dim3A : vector<1000x1xf32> to vector<1000x64xf32>
    %broadcast_in_dim3A_20 = vector.shape_cast %rsqrt3A_18 : vector<1000x1xf32> to vector<1000x1xf32>
    %broadcast_in_dim3A_21 = vector.broadcast %broadcast_in_dim3A_20 : vector<1000x1xf32> to vector<1000x64xf32>
    %concatenate3A = tpu.concatenate %broadcast_in_dim3A_19, %broadcast_in_dim3A_21 in 1 : vector<1000x64xf32>, vector<1000x64xf32> -> vector<1000x128xf32>
    %get3A_22 = arith.constant 0 : index
    %get3A_23 = arith.constant 0 : index
    %get3A_24 = arith.constant 0 : index
    %get3A_25 = vector.load %arg1[%get3A_22, %get3A_23, %get3A_24] : memref<2x1000x128xf32, #tpu.memory_space<vmem>>, vector<1x1000x128xf32>
    %get3A_26 = vector.shape_cast %get3A_25 : vector<1x1000x128xf32> to vector<1000x128xf32>
    %get3A_27 = arith.constant 1 : index
    %get3A_28 = arith.constant 0 : index
    %get3A_29 = arith.constant 0 : index
    %get3A_30 = vector.load %arg1[%get3A_27, %get3A_28, %get3A_29] : memref<2x1000x128xf32, #tpu.memory_space<vmem>>, vector<1x1000x128xf32>
    %get3A_31 = vector.shape_cast %get3A_30 : vector<1x1000x128xf32> to vector<1000x128xf32>
    %add3A_32 = arith.addf %get3A_26, %get3A_31 : vector<1000x128xf32>
    %get3A_33 = arith.constant 0 : index
    %get3A_34 = arith.constant 0 : index
    %get3A_35 = vector.load %arg2[%get3A_33, %get3A_34] : memref<1000x128xf32, #tpu.memory_space<vmem>>, vector<1000x128xf32>
    %add3A_36 = arith.addf %add3A_32, %get3A_35 : vector<1000x128xf32>
    %mul3A = arith.mulf %add3A_36, %concatenate3A : vector<1000x128xf32>
    %get3A_37 = arith.constant 0 : index
    %get3A_38 = arith.constant 0 : index
    %get3A_39 = vector.load %arg5[%get3A_37, %get3A_38] : memref<1x128xf32, #tpu.memory_space<vmem>>, vector<1x128xf32>
    %add3A_40 = vector.broadcast %get3A_39 : vector<1x128xf32> to vector<1000x128xf32>
    %add3A_41 = arith.addf %mul3A, %add3A_40 : vector<1000x128xf32>
    %max3A = arith.constant 0.000000e+00 : f32
    %max3A_42 = vector.broadcast %max3A : f32 to vector<1000x128xf32>
    %max3A_43 = arith.maximumf %add3A_41, %max3A_42 : vector<1000x128xf32>
    %get3A_44 = arith.constant 0 : index
    %get3A_45 = arith.constant 0 : index
    %get3A_46 = vector.load %arg6[%get3A_44, %get3A_45] : memref<128x128xf32, #tpu.memory_space<vmem>>, vector<128x128xf32>
    %convert_element_type3A = arith.truncf %max3A_43 : vector<1000x128xf32> to vector<1000x128xbf16>
    %convert_element_type3A_47 = arith.extf %convert_element_type3A : vector<1000x128xbf16> to vector<1000x128xf32>
    %sub3A = arith.subf %max3A_43, %convert_element_type3A_47 : vector<1000x128xf32>
    %convert_element_type3A_48 = arith.truncf %sub3A : vector<1000x128xf32> to vector<1000x128xbf16>
    %convert_element_type3A_49 = arith.truncf %get3A_46 : vector<128x128xf32> to vector<128x128xbf16>
    %convert_element_type3A_50 = arith.extf %convert_element_type3A_49 : vector<128x128xbf16> to vector<128x128xf32>
    %sub3A_51 = arith.subf %get3A_46, %convert_element_type3A_50 : vector<128x128xf32>
    %convert_element_type3A_52 = arith.truncf %sub3A_51 : vector<128x128xf32> to vector<128x128xbf16>
    %dot_general3A = arith.constant dense<0.000000e+00> : vector<1000x128xf32>
    %dot_general3A_53 = tpu.matmul %convert_element_type3A, %convert_element_type3A_49, %dot_general3A {dimension_numbers = #tpu.dot_dimension_numbers<[1], [0], [0], [1], [0, 0, 1, 1], [], []>, transpose_lhs_hint = false} : vector<1000x128xbf16>, vector<128x128xbf16>, vector<1000x128xf32> -> vector<1000x128xf32>
    %dot_general3A_54 = arith.constant dense<0.000000e+00> : vector<1000x128xf32>
    %dot_general3A_55 = tpu.matmul %convert_element_type3A_48, %convert_element_type3A_49, %dot_general3A_54 {dimension_numbers = #tpu.dot_dimension_numbers<[1], [0], [0], [1], [0, 0, 1, 1], [], []>, transpose_lhs_hint = false} : vector<1000x128xbf16>, vector<128x128xbf16>, vector<1000x128xf32> -> vector<1000x128xf32>
    %add3A_56 = arith.addf %dot_general3A_53, %dot_general3A_55 : vector<1000x128xf32>
    %dot_general3A_57 = arith.constant dense<0.000000e+00> : vector<1000x128xf32>
    %dot_general3A_58 = tpu.matmul %convert_element_type3A, %convert_element_type3A_52, %dot_general3A_57 {dimension_numbers = #tpu.dot_dimension_numbers<[1], [0], [0], [1], [0, 0, 1, 1], [], []>, transpose_lhs_hint = false} : vector<1000x128xbf16>, vector<128x128xbf16>, vector<1000x128xf32> -> vector<1000x128xf32>
    %add3A_59 = arith.addf %add3A_56, %dot_general3A_58 : vector<1000x128xf32>
    %mul3A_60 = arith.mulf %add3A_59, %concatenate3A : vector<1000x128xf32>
    %swap3A = arith.constant 0 : index
    %swap3A_61 = arith.constant 0 : index
    %swap3A_62 = vector.load %arg7[%swap3A, %swap3A_61] : memref<1000x128xf32, #tpu.memory_space<vmem>>, vector<1000x128xf32>
    tpu.vector_store %arg7[%swap3A, %swap3A_61], %mul3A_60 {strides = array<i32>} : memref<1000x128xf32, #tpu.memory_space<vmem>>, vector<1000x128xf32>,
    return
  }
  func.func @transform_0(%arg0: i32) -> (i32, i32, i32) {
    %c0_i32 = arith.constant 0 : i32
    %c0_i32_0 = arith.constant 0 : i32
    %c0_i32_1 = arith.constant 0 : i32
    return %c0_i32, %arg0, %c0_i32_0 : i32, i32, i32
  }
  func.func @transform_1(%arg0: i32) -> (i32, i32) {
    %c0_i32 = arith.constant 0 : i32
    %c0_i32_0 = arith.constant 0 : i32
    return %arg0, %c0_i32 : i32, i32
  }
  func.func @transform_2(%arg0: i32) -> (i32, i32) {
    %c0_i32 = arith.constant 0 : i32
    %c0_i32_0 = arith.constant 0 : i32
    return %arg0, %c0_i32 : i32, i32
  }
  func.func @transform_3(%arg0: i32) -> (i32, i32) {
    %add3A = arith.constant 5 : i32
    %add3A_0 = arith.addi %arg0, %add3A : i32
    %c0_i32 = arith.constant 0 : i32
    %c0_i32_1 = arith.constant 0 : i32
    return %add3A_0, %c0_i32 : i32, i32
  }
  func.func @transform_4(%arg0: i32) -> (i32, i32) {
    %c0_i32 = arith.constant 0 : i32
    %c0_i32_0 = arith.constant 0 : i32
    %c0_i32_1 = arith.constant 0 : i32
    return %c0_i32, %c0_i32_0 : i32, i32
  }
  func.func @transform_5(%arg0: i32) -> (i32, i32) {
    %c0_i32 = arith.constant 0 : i32
    %c0_i32_0 = arith.constant 0 : i32
    %c0_i32_1 = arith.constant 0 : i32
    return %c0_i32, %c0_i32_0 : i32, i32
  }
  func.func @transform_6(%arg0: i32) -> (i32, i32) {
    %c0_i32 = arith.constant 0 : i32
    %c0_i32_0 = arith.constant 0 : i32
    return %arg0, %c0_i32 : i32, i32
  }
}

module attributes {stable_mosaic.version = 14 : i64} {
  func.func @body(%arg0: i32, %arg1: memref<2x1000x128xf32, #tpu.memory_space<vmem>>, %arg2: memref<1000x128xf32, #tpu.memory_space<vmem>>, %arg3: memref<1000x2xf32, #tpu.memory_space<vmem>>, %arg4: memref<1x64xf32, #tpu.memory_space<vmem>>, %arg5: memref<1000x64xf32, #tpu.memory_space<vmem>>) attributes {dimension_semantics = [#tpu.dimension_semantics<arbitrary>], iteration_bounds = array<i64: 10>, scalar_prefetch = 0 : i64, scratch_operands = 0 : i64, tpu.core_type = #tpu.core_type<tc>, window_params = [{transform_indices = @transform_0, window_bounds = array<i64: 2, 1000, 128>}, {transform_indices = @transform_1, window_bounds = array<i64: 1000, 128>}, {transform_indices = @transform_2, window_bounds = array<i64: 1000, 2>}, {pipeline_mode = #tpu.pipeline_mode<synchronous>, transform_indices = @transform_3, window_bounds = array<i64: 1, 64>}, {transform_indices = @transform_4, window_bounds = array<i64: 1000, 64>}]} {
    %get3A = arith.constant 0 : index
    %get3A_0 = arith.constant 0 : index
    %get3A_1 = arith.constant 0 : index
    %get3A_2 = vector.load %arg1[%get3A, %get3A_0, %get3A_1] : memref<2x1000x128xf32, #tpu.memory_space<vmem>>, vector<1x1000x128xf32>
    %get3A_3 = vector.shape_cast %get3A_2 : vector<1x1000x128xf32> to vector<1000x128xf32>
    %get3A_4 = arith.constant 1 : index
    %get3A_5 = arith.constant 0 : index
    %get3A_6 = arith.constant 0 : index
    %get3A_7 = vector.load %arg1[%get3A_4, %get3A_5, %get3A_6] : memref<2x1000x128xf32, #tpu.memory_space<vmem>>, vector<1x1000x128xf32>
    %get3A_8 = vector.shape_cast %get3A_7 : vector<1x1000x128xf32> to vector<1000x128xf32>
    %add3A = arith.addf %get3A_3, %get3A_8 : vector<1000x128xf32>
    %get3A_9 = arith.constant 0 : index
    %get3A_10 = arith.constant 0 : index
    %get3A_11 = vector.load %arg2[%get3A_9, %get3A_10] : memref<1000x128xf32, #tpu.memory_space<vmem>>, vector<1000x128xf32>
    %add3A_12 = arith.addf %add3A, %get3A_11 : vector<1000x128xf32>
    %lt3A = arith.constant 5 : i32
    %lt3A_13 = arith.cmpi slt, %arg0, %lt3A : i32
    %slice3A = vector.extract_strided_slice %add3A_12 {offsets = [0, 0], sizes = [1000, 64], strides = [1, 1]} : vector<1000x128xf32> to vector<1000x64xf32>
    %slice3A_14 = vector.extract_strided_slice %add3A_12 {offsets = [0, 64], sizes = [1000, 64], strides = [1, 1]} : vector<1000x128xf32> to vector<1000x64xf32>
    %select_n3A = arith.select %lt3A_13, %slice3A, %slice3A_14 : vector<1000x64xf32>
    %get3A_15 = arith.constant 0 : index
    %get3A_16 = arith.constant 0 : index
    %get3A_17 = vector.load %arg3[%get3A_15, %get3A_16] : memref<1000x2xf32, #tpu.memory_space<vmem>>, vector<1000x1xf32>
    %get3A_18 = arith.constant 0 : index
    %get3A_19 = arith.constant 1 : index
    %get3A_20 = vector.load %arg3[%get3A_18, %get3A_19] : memref<1000x2xf32, #tpu.memory_space<vmem>>, vector<1000x1xf32>
    %add3A_21 = arith.addf %get3A_17, %get3A_20 : vector<1000x1xf32>
    %add3A_22 = arith.constant 1.000000e+00 : f32
    %add3A_23 = vector.broadcast %add3A_22 : f32 to vector<1000x1xf32>
    %add3A_24 = arith.addf %add3A_21, %add3A_23 : vector<1000x1xf32>
    %rsqrt3A = math.rsqrt %add3A_24 : vector<1000x1xf32>
    %mul3A = vector.broadcast %rsqrt3A : vector<1000x1xf32> to vector<1000x64xf32>
    %mul3A_25 = arith.mulf %select_n3A, %mul3A : vector<1000x64xf32>
    %get3A_26 = arith.constant 0 : index
    %get3A_27 = arith.constant 0 : index
    %get3A_28 = vector.load %arg4[%get3A_26, %get3A_27] : memref<1x64xf32, #tpu.memory_space<vmem>>, vector<1x64xf32>
    %add3A_29 = vector.broadcast %get3A_28 : vector<1x64xf32> to vector<1000x64xf32>
    %add3A_30 = arith.addf %mul3A_25, %add3A_29 : vector<1000x64xf32>
    %swap3A = arith.constant 0 : index
    %swap3A_31 = arith.constant 0 : index
    %swap3A_32 = vector.load %arg5[%swap3A, %swap3A_31] : memref<1000x64xf32, #tpu.memory_space<vmem>>, vector<1000x64xf32>
    tpu.vector_store %arg5[%swap3A, %swap3A_31], %add3A_30 {strides = array<i32>} : memref<1000x64xf32, #tpu.memory_space<vmem>>, vector<1000x64xf32>,
    return
  }
  func.func @transform_0(%arg0: i32) -> (i32, i32, i32) {
    %jit3A = arith.constant 5 : i32
    %eq3A = arith.constant 0 : i32
    %eq3A_0 = arith.cmpi eq, %jit3A, %eq3A : i32
    %jit3A_1 = arith.constant 1 : i32
    %select_n3A = arith.select %eq3A_0, %jit3A_1, %jit3A : i32
    %rem3A = arith.remsi %arg0, %select_n3A : i32
    %ne3A = arith.constant 0 : i32
    %ne3A_2 = arith.cmpi ne, %rem3A, %ne3A : i32
    %lt3A = arith.constant 0 : i32
    %lt3A_3 = arith.cmpi slt, %rem3A, %lt3A : i32
    %lt3A_4 = arith.constant 0 : i32
    %lt3A_5 = arith.cmpi slt, %select_n3A, %lt3A_4 : i32
    %ne3A_6 = arith.xori %lt3A_3, %lt3A_5 : i1
    %and3A = arith.andi %ne3A_6, %ne3A_2 : i1
    %add3A = arith.addi %rem3A, %select_n3A : i32
    %select_n3A_7 = arith.select %and3A, %add3A, %rem3A : i32
    %c0_i32 = arith.constant 0 : i32
    %c0_i32_8 = arith.constant 0 : i32
    %c0_i32_9 = arith.constant 0 : i32
    return %c0_i32, %select_n3A_7, %c0_i32_8 : i32, i32, i32
  }
  func.func @transform_1(%arg0: i32) -> (i32, i32) {
    %jit3A = arith.constant 5 : i32
    %eq3A = arith.constant 0 : i32
    %eq3A_0 = arith.cmpi eq, %jit3A, %eq3A : i32
    %jit3A_1 = arith.constant 1 : i32
    %select_n3A = arith.select %eq3A_0, %jit3A_1, %jit3A : i32
    %rem3A = arith.remsi %arg0, %select_n3A : i32
    %ne3A = arith.constant 0 : i32
    %ne3A_2 = arith.cmpi ne, %rem3A, %ne3A : i32
    %lt3A = arith.constant 0 : i32
    %lt3A_3 = arith.cmpi slt, %rem3A, %lt3A : i32
    %lt3A_4 = arith.constant 0 : i32
    %lt3A_5 = arith.cmpi slt, %select_n3A, %lt3A_4 : i32
    %ne3A_6 = arith.xori %lt3A_3, %lt3A_5 : i1
    %and3A = arith.andi %ne3A_6, %ne3A_2 : i1
    %add3A = arith.addi %rem3A, %select_n3A : i32
    %select_n3A_7 = arith.select %and3A, %add3A, %rem3A : i32
    %c0_i32 = arith.constant 0 : i32
    %c0_i32_8 = arith.constant 0 : i32
    return %select_n3A_7, %c0_i32 : i32, i32
  }
  func.func @transform_2(%arg0: i32) -> (i32, i32) {
    %c0_i32 = arith.constant 0 : i32
    %c0_i32_0 = arith.constant 0 : i32
    return %arg0, %c0_i32 : i32, i32
  }
  func.func @transform_3(%arg0: i32) -> (i32, i32) {
    %c0_i32 = arith.constant 0 : i32
    %c0_i32_0 = arith.constant 0 : i32
    %c0_i32_1 = arith.constant 0 : i32
    return %c0_i32, %c0_i32_0 : i32, i32
  }
  func.func @transform_4(%arg0: i32) -> (i32, i32) {
    %c0_i32 = arith.constant 0 : i32
    %c0_i32_0 = arith.constant 0 : i32
    return %arg0, %c0_i32 : i32, i32
  }
}

</mosaic_0001>

<sc_bundles>
// kernel: kernel.11.cloned.1.call-start
scs
__scs_entry_jumppad:
0x0: {  	(pc) =	sbr.rel $0x88, $3  }
0x1: {  	(tag) =	ssettag $0x0;
	lr =	simm.s32 $0x1  }
0x2: {  	[smem:$0x3F9B] =	sst lr;
	_ =	strace $0xD0000000  }
0x3: {  	_ = 	snop  }
0x4: {  	_ = 	snop  }
0x5: {  	_ = 	snop  }
0x6: {  	_ = 	snop  }
0x7: {  	_ = 	snop  }
__scs_overlays_trampoline_lowered:
0x8: {  	[smem:$0x3FAA] =	sst s0  }
0x9: {  	[smem:$0x3FAB] =	sst s1  }
0xa: {  	[smem:$0x3FAC] =	sst s2  }
0xb: {  	[smem:$0x3FAD] =	sst s3  }
0xc: {  	[smem:$0x3FAE] =	sst s4  }
0xd: {  	[smem:$0x3FAF] =	sst s5  }
0xe: {  	[smem:$0x3FB0] =	sst s6  }
0xf: {  	[smem:$0x3FB1] =	sst s7  }
0x10: {  	[smem:$0x3FB2] =	sst s8  }
0x11: {  	[smem:$0x3FB3] =	sst s9;
	s0 =	simm.s32 @!p0 $0x0  }
0x12: {  	s1 =	sld [smem:$0x3F99];
	s0 =	simm.s32 @p0 $0x1  }
0x13: {  	[smem:$0x3FB4] =	sst s0;
	s0 =	simm.s32 @!p1 $0x0  }
0x14: {  	s2 =	sld [smem:$0x3F98];
	s0 =	simm.s32 @p1 $0x1  }
0x15: {  	[smem:$0x3FB5] =	sst s0;
	s0 =	simm.s32 @!p2 $0x0  }
0x16: {  	s3 =	sld [smem:$0x3FDB];
	s0 =	simm.s32 @p2 $0x1  }
0x17: {  	s4 =	simm.s32 $0x1BF5;
	[smem:$0x3FB7] =	sst s0  }
0x18: {  	s0 =	sld [smem:$0x3F9A];
	_ =	swait.ge [sflag:s4], $0x0  }
0x19: {  	s7 =	sld [smem:$0x3F9B]  }
0x1a: {  	s8 =	sadd.s32 $0xFFFFE003, lr  }
0x1b: {  	s9 =	sadd.s32 $0xFFFFFEF7, lr;
	s5 =	simm.s32 $0xFFFFFFFF;
	p2 =	slt.u32 s8, $0xFFFFF086  }
0x1c: {  	p1 =	slt.u32 s9, $0xF7A;
	s5 =	simm.s32 @!p2 $0x0  }
0x1d: {  	s5 =	simm.s32 @p1 $0x1;
	p0 =	seq.s32 s7, s2  }
0x1e: {  	s7 =	smul.u32 @!p0 $0xF7A, s2;
	p2 =	seq.s32 @!p0 s5, $0x0  }
0x1f: {  	s9 =	smul.u32 $0xF7A, s1;
	s8 =	simm.s32 @!p0 $0x1BF5;
	p2 =	por !p2, p0  }
0x20: {  	[sflag:s8] =	ssyncset.s32 @!p0 $0xFFFFF086;
	s6 =	sadd.s32 @!p0 s3, s7;
	s7 =	simm.s32 @!p0 $0x108  }
0x21: {  	s3 =	sadd.s32 s3, s9;
	s6 =	sadd.s32 @!p0 $0x88, s6;
	s7 =	simm.s32 @p2 $0x1082  }
0x22: {  	[simem:s7], [sflag:s8] =	dma.local @!p0 [hbm:s6], $0xF7A  }
0x23: {  	s9 =	sor.u32 $0xD0000000, s2;
	s6 =	simm.s32 $0x108;
	_ =	swait.ge @!p0 [sflag:s8], $0x0  }
0x24: {  	s3 =	sadd.s32 $0x88, s3;
	s6 =	simm.s32 @!p1 $0x1082;
	[sflag:s4] =	ssyncset.s32 $0xFFFFF086  }
0x25: {  	[simem:s6], [sflag:s4] =	dma.local [hbm:s3], $0xF7A  }
0x26: {  	[smem:$0x3F9B] =	sst s1;
	(tag) =	ssettag s2;
	_ =	strace s9  }
0x27: {  	s1 =	sld [smem:$0x3FAB]  }
0x28: {  	s2 =	sld [smem:$0x3FAC]  }
0x29: {  	s4 =	sld [smem:$0x3FAE]  }
0x2a: {  	p0 =	seq.s32 s5, $0x0;
	s5 =	sld [smem:$0x3FAF]  }
0x2b: {  	s6 =	sld [smem:$0x3FB0]  }
0x2c: {  	s7 =	sld [smem:$0x3FB1]  }
0x2d: {  	s3 =	simm.s32 $0x108;
	s8 =	sld [smem:$0x3FB2]  }
0x2e: {  	s3 =	simm.s32 @!p0 $0x1082;
	s9 =	sld [smem:$0x3FB3]  }
0x2f: {  	lr =	sadd.s32 s0, s3;
	s0 =	sld [smem:$0x3FAA]  }
0x30: {  	s3 =	sld [smem:$0x3FAD]  }
0x31: {  	[smem:$0x3FB6] =	sst s10  }
0x32: {  	s10 =	sld [smem:$0x3FB4];
	_ =	sdelay $0x3  }
0x33: {  	p0 =	seq.s32 s10, $0x1;
	s10 =	sld [smem:$0x3FB6];
	_ =	sdelay $0x3  }
0x34: {  	[smem:$0x3FB6] =	sst s10  }
0x35: {  	s10 =	sld [smem:$0x3FB5];
	_ =	sdelay $0x3  }
0x36: {  	p1 =	seq.s32 s10, $0x1;
	s10 =	sld [smem:$0x3FB6];
	_ =	sdelay $0x3  }
0x37: {  	[smem:$0x3FB6] =	sst s10  }
0x38: {  	s10 =	sld [smem:$0x3FB7]  }
0x39: {  	_ = 	snop;
	(pc) =	sbr.ind lr, $3  }
0x3a: {  	_ = 	snop  }
0x3b: {  	_ = 	snop  }
0x3c: {  	p2 =	seq.s32 s10, $0x1;
	s10 =	sld [smem:$0x3FB6]  }
0x3d: {  	_ =	shalt  }
0x3e: {  	_ =	shalt  }
0x3f: {  	_ =	shalt  }
0x40: {  	_ =	shalt  }
0x41: {  	_ =	shalt  }
0x42: {  	_ =	shalt  }
0x43: {  	_ =	shalt  }
0x44: {  	_ =	shalt  }
0x45: {  	_ =	shalt  }
0x46: {  	_ =	shalt  }
0x47: {  	_ =	shalt  }
0x48: {  	_ =	shalt  }
0x49: {  	_ =	shalt  }
0x4a: {  	_ =	shalt  }
0x4b: {  	_ =	shalt  }
0x4c: {  	_ =	shalt  }
0x4d: {  	_ =	shalt  }
0x4e: {  	_ =	shalt  }
0x4f: {  	_ =	shalt  }
0x50: {  	_ =	shalt  }
0x51: {  	_ =	shalt  }
0x52: {  	_ =	shalt  }
0x53: {  	_ =	shalt  }
0x54: {  	_ =	shalt  }
0x55: {  	_ =	shalt  }
0x56: {  	_ =	shalt  }
0x57: {  	_ =	shalt  }
0x58: {  	_ =	shalt  }
0x59: {  	_ =	shalt  }
0x5a: {  	_ =	shalt  }
0x5b: {  	_ =	shalt  }
0x5c: {  	_ =	shalt  }
0x5d: {  	_ =	shalt  }
0x5e: {  	_ =	shalt  }
0x5f: {  	_ =	shalt  }
0x60: {  	_ =	shalt  }
0x61: {  	_ =	shalt  }
0x62: {  	_ =	shalt  }
0x63: {  	_ =	shalt  }
0x64: {  	_ =	shalt  }
0x65: {  	_ =	shalt  }
0x66: {  	_ =	shalt  }
0x67: {  	_ =	shalt  }
0x68: {  	_ =	shalt  }
0x69: {  	_ =	shalt  }
0x6a: {  	_ =	shalt  }
0x6b: {  	_ =	shalt  }
0x6c: {  	_ =	shalt  }
0x6d: {  	_ =	shalt  }
0x6e: {  	_ =	shalt  }
0x6f: {  	_ =	shalt  }
0x70: {  	_ =	shalt  }
0x71: {  	_ =	shalt  }
0x72: {  	_ =	shalt  }
0x73: {  	_ =	shalt  }
0x74: {  	_ =	shalt  }
0x75: {  	_ =	shalt  }
0x76: {  	_ =	shalt  }
0x77: {  	_ =	shalt  }
0x78: {  	_ =	shalt  }
0x79: {  	_ =	shalt  }
0x7a: {  	_ =	shalt  }
0x7b: {  	_ =	shalt  }
0x7c: {  	_ =	shalt  }
0x7d: {  	_ =	shalt  }
0x7e: {  	_ =	shalt  }
0x7f: {  	_ =	shalt  }
0x80: {  	_ =	shalt  }
0x81: {  	_ =	shalt  }
0x82: {  	_ =	shalt  }
0x83: {  	_ =	shalt  }
0x84: {  	_ =	shalt  }
0x85: {  	_ =	shalt  }
0x86: {  	_ =	shalt  }
0x87: {  	_ =	shalt  }
.Lfunc_end0:
.L_simem_size_0:
called_computation.1_lowered:
.L_overlay_start_0:
0x88: {  	s2 =	sld [smem:$0x3FD9]  }
0x89: {  	s3 =	sld [smem:$0x3FFE];
	_ =	sdelay $0x1  }
0x8a: {  	s1 =	srdreg.scid  }
0x8b: {  	s0 =	sand.u32 $0x1, s1  }
0x8c: {  	s17 =	sshll.u32 s0, $0xA;
	s2 =	sadd.s32 s3, s2  }
0x8d: {  	s2 =	sadd.s32 s2, s17  }
0x8e: {  	[smem:$0x3FC2] =	sst s2  }
0x8f: {  	_ = 	snop  }
0x90: {  	s2 =	sld [smem:$0x3FD0];
	(tm) =	ssettm $0x1  }
0x91: {  	s18 =	sld [smem:$0x3FFB];
	_ =	sdelay $0x3  }
0x92: {  	_ =	strace s18  }
0x93: {  	s3 =	sld [smem:$0x3FFC];
	_ =	sdelay $0x3  }
0x94: {  	_ =	strace s3  }
0x95: {  	s3 =	sld [smem:$0x3FFD];
	_ =	sdelay $0x3  }
0x96: {  	_ =	strace s3  }
0x97: {  	_ =	strace $0x8FFFFFFF  }
0x98: {  	s19 =	sld [smem:$0x3FDB];
	_ =	sdelay $0x1  }
0x99: {  	s4 =	simm.s32 $_scs_section_size  }
0x9a: {  	s5 =	simm.s32 $_size__tile_overlayer_lowered;
	s6 =	simm.s32 $_tile_overlayer_lowered  }
0x9b: {  	s22 =	simm.s32 $0x1BFF;
	s21 =	sshll.u32 s6, $0x1;
	s3 =	sadd.s32 s4, s19  }
0x9c: {  	s7 =	simm.s32 $0x0;
	s20 =	sshll.u32 s5, $0x1;
	s5 =	sadd.s32 s21, s3  }
0x9d: {  	[timem:s7], [sflag:s22] =	dma.local [hbm:s5], s20  }
0x9e: {  	_ =	swait.ge [sflag:s22], s20  }
0x9f: {  	s4 =	ssub.s32 $0x0, s20;
	[sflag:s22] =	ssyncset.done $0x0  }
0xa0: {  	[sflag:s22] =	ssyncadd.s32 s4;
	_ =	sdelay $0x1  }
0xa1: {  	s23 =	simm.s32 $0x1B8B  }
0xa2: {  	_ =	swait.ge [sflag:s23], $0x1  }
0xa3: {  	[sflag:s23] =	ssyncset.done $0x0  }
0xa4: {  	s25 =	simm.s32 $0x1B8E;
	s24 =	sld [smem:$0x3FFE];
	[sflag:s23] =	ssyncadd.s32 $0xFFFFFFFF  }
0xa5: {  	s26 =	simm.s32 $execute0_lowered;
	[smem:$0x3FD2] =	sst s25  }
0xa6: {  	s5 =	sshll.u32 s26, $0x1;
	_ =	strace $0x80000049;
	[dreg:$0x1] =	wrdreg $0xFFFFFFFF  }
0xa7: {  	s28 =	simm.s32 $_size_execute0_lowered;
	s3 =	sadd.s32 s3, s5;
	[dreg:$0x0] =	wrdreg $0x0  }
0xa8: {  	s5 =	sshll.u32 s28, $0x1;
	[dreg:$0x2] =	wrdreg s3  }
0xa9: {  	[dreg:$0x3] =	wrdreg s5  }
0xaa: {  	[dreg:$0x4] =	wrdreg $0xC0  }
0xab: {  	_ =	task [dreg:s7], $0x5FFFF  }
0xac: {  	[dreg:$0x1] =	wrdreg $0xFFFFFFFF  }
0xad: {  	[dreg:$0x0] =	wrdreg $0x60  }
0xae: {  	[dreg:$0x2] =	wrdreg s2  }
0xaf: {  	[dreg:$0x3] =	wrdreg s24  }
0xb0: {  	[dreg:$0x4] =	wrdreg $0xA8000  }
0xb1: {  	[dreg:$0x5] =	wrdreg $0x9  }
0xb2: {  	_ =	task.clear_ibuf [dreg:s7], $0x6FFFF;
	_ =	strace $0x90000049  }
0xb3: {  	s29 =	simm.s32 $0x9;
	_ =	strace $0x8000004B  }
0xb4: {  	_ =	swait.ge [sflag:s29], $0x1  }
0xb5: {  	[sflag:s29] =	ssyncadd.s32 $0xFFFFFFFF  }
0xb6: {  	_ =	strace $0x9000004B  }
0xb7: {  	_ =	sfence  }
0xb8: {  	s30 =	sld [smem:$0x0];
	_ =	sdelay $0x2  }
0xb9: {  	s31 =	sshll.u32 s1, $0xD;
	s1 =	sshrl.u32 s1, $0x2  }
0xba: {  	s3 =	sand.u32 $0x4000, s31;
	s1 =	sadd.s32 s1, s30  }
0xbb: {  	s0 =	sor.u32 s3, s0;
	s1 =	sshll.u32 s1, $0x11  }
0xbc: {  	s0 =	sor.u32 s1, s0  }
0xbd: {  	s0 =	sadd.s32 $0x8F2B, s0  }
0xbe: {  	[sflag:s0] =	ssyncadd.remote.s32 $0x1  }
0xbf: {  	_ =	sfence.sel $0xFFFF  }
0xc0: {  	[dreg:$0x0] =	wrdreg $0xFFFFFFFF;
	(pc) =	sbr.abs _section_cstart, $3  }
0xc1: {  	[dreg:$0x1] =	wrdreg $0xFFFFFFFF  }
0xc2: {  	_ =	task.clear_ibuf [dreg:s7], $0x2FFFF;
	_ =	strace $0x9FFFFFFF  }
0xc3: {  	(tm) =	ssettm $0x7FFFFFFF  }
tec
execute0_lowered:
.L_overlay_start_1:
0x0: {  	(tag) =	ssettag $0x1  }
0x1: {  	s1 =	rddreg [dreg:$0x0]  }
0x2: {  	s0 =	rddreg [dreg:$0x1]  }
0x3: {  	s3 =	rddreg [dreg:$0x2];
	s2 =	srdreg.scid;
	s4 =	simm.s32 $0x0  }
0x4: {  	s9 =	stileid.u32;
	s15 =	simm.s32 $0x80;
	s16 =	simm.s32 $0x1000  }
0x5: {  	s17 =	simm.s32 $0x5;
	s19 =	simm.s32 $0x2800;
	s20 =	simm.s32 $0x4800  }
0x6: {  	s22 =	simm.s32 $0x6800;
	s23 =	simm.s32 $0x8800;
	s28 =	simm.s32 $0x3  }
0x7: {  	s29 =	simm.s32 $0x4;
	s21 =	simm.s32 $0x0;
	s10 =	smul.u32 $0xA000, s9  }
0x8: {  	s2 =	sand.u32 $0x1, s2;
	s6 =	sshll.u32 s9, $0x4;
	s25 =	smul.u32 $0x28000, s9  }
0x9: {  	[smem:$0x7FF] =	sst s4;
	s5 =	sshll.u32 s2, $0x8;
	s7 =	smul.u32 $0xA0000, s2  }
0xa: {  	_ =	strace $0x8000004A;
	s2 =	ssub.s32 $0x2, s2;
	s5 =	sor.u32 s6, s5  }
0xb: {  	s26 =	sshrl.u32 s2, $0x1;
	s30 =	sshrl.u32 s25, $0x2;
	s31 =	sadd.s32 s10, s3  }
0xc: {  	s8 =	sadd.s32 s5, s0;
	s24 =	sadd.s32 s10, s7;
	s5 =	sadd.s32 $0x7600, s0  }
0xd: {  	s2 =	ssub.s32 s2, s26;
	s25 =	sshrl.u32 s31, $0x3;
	s26 =	simm.s32 $0x2  }
0xe: {  	s6 =	sshrl.u32 s24, $0x3;
	s7 =	sadd.s32 $0x2600, s8;
	s10 =	smax.u32 s2, $0x1  }
0xf: {  	s0 =	sadd.s32 s6, s0;
	s6 =	sadd.s32 $0x8200, s8;
	s8 =	sadd.s32 s30, s3  }
0x10: {  	s24 =	simm.s32 $0x1;
	s9 =	sadd.s32 $0xD200, s0;
	s11 =	sadd.s32 $0x2000, s8  }
0x11: {  	s12 =	sadd.s32 $0x4000, s8;
	s13 =	sadd.s32 $0x6000, s8;
	s14 =	sadd.s32 $0x8000, s8  }
.LBB2_1:
0x12: {  	[tilespmem:s4], [sflag:$0x5] =	stream.strided.gather [hbm4b:s6+s15], $0x1400, s16, s15, $0x38;
	[tilespmem:$0x14800] =	vst v63  }
0x13: {  	_ =	swait.ge [sflag:s17], $0x1400  }
0x14: {  	[sflag:s17] =	ssyncset.done $0x0  }
0x15: {  	s0 =	simm.s32 $0x1400;
	[sflag:s17] =	ssyncadd.s32 $0xFFFFEC00  }
0x16: {  	[tilespmem:s0], [sflag:$0x5] =	stream.strided.gather [hbm4b:s7+s15], $0x1400, s16, s15, $0x38;
	[tilespmem:$0x14800] =	vst v63  }
0x17: {  	_ =	swait.ge [sflag:s17], $0x1400  }
0x18: {  	[sflag:s17] =	ssyncset.done $0x0  }
0x19: {  	[sflag:s17] =	ssyncadd.s32 $0xFFFFEC00  }
0x1a: {  	[tilespmem:s19], [sflag:$0x5] =	stream.linear.gather [hbm4b:s5+s4], $0x2000, $0x38;
	[tilespmem:$0x14800] =	vst v63  }
0x1b: {  	_ =	swait.ge [sflag:s17], $0x2000  }
0x1c: {  	[sflag:s17] =	ssyncset.done $0x0  }
0x1d: {  	[sflag:s17] =	ssyncadd.s32 $0xFFFFE000  }
0x1e: {  	[spmem:s8] =	stream.linear.scatter [tilespmem:s19], [sflag:$0x5], $0x2000, $0x38;
	[tilespmem:$0x14800] =	vst v63  }
0x1f: {  	_ =	swait.ge [sflag:s17], $0x2000  }
0x20: {  	[sflag:s17] =	ssyncset.done $0x0  }
0x21: {  	[sflag:s17] =	ssyncadd.s32 $0xFFFFE000  }
0x22: {  	[spmem:s11] =	stream.linear.scatter [tilespmem:s19], [sflag:$0x5], $0x2000, $0x38;
	[tilespmem:$0x14800] =	vst v63  }
0x23: {  	_ =	swait.ge [sflag:s17], $0x2000  }
0x24: {  	[sflag:s17] =	ssyncset.done $0x0  }
0x25: {  	[sflag:s17] =	ssyncadd.s32 $0xFFFFE000  }
0x26: {  	[spmem:s12] =	stream.linear.scatter [tilespmem:s19], [sflag:$0x5], $0x2000, $0x38;
	[tilespmem:$0x14800] =	vst v63  }
0x27: {  	_ =	swait.ge [sflag:s17], $0x2000  }
0x28: {  	[sflag:s17] =	ssyncset.done $0x0  }
0x29: {  	[sflag:s17] =	ssyncadd.s32 $0xFFFFE000  }
0x2a: {  	[spmem:s13] =	stream.linear.scatter [tilespmem:s19], [sflag:$0x5], $0x2000, $0x38;
	[tilespmem:$0x14800] =	vst v63  }
0x2b: {  	_ =	swait.ge [sflag:s17], $0x2000  }
0x2c: {  	[sflag:s17] =	ssyncset.done $0x0  }
0x2d: {  	[sflag:s17] =	ssyncadd.s32 $0xFFFFE000  }
0x2e: {  	[spmem:s14] =	stream.linear.scatter [tilespmem:s19], [sflag:$0x5], $0x2000, $0x38;
	[tilespmem:$0x14800] =	vst v63  }
0x2f: {  	_ =	swait.ge [sflag:s17], $0x2000  }
0x30: {  	[sflag:s17] =	ssyncset.done $0x0  }
0x31: {  	[sflag:s17] =	ssyncadd.s32 $0xFFFFE000  }
0x32: {  	[bflag:$0x0] =	sbarrier.arrive $0xFFFF  }
0x33: {  	[tilespmem:s19], [sflag:$0x1] =	stream.indirect.gather [hbm4b:s1+s15], $0x40, s4, s15, $0xb8;
	[tilespmem:$0x14800] =	vst v63  }
0x34: {  	_ = 	snop  }
0x35: {  	[tilespmem:s20], [sflag:$0x2] =	stream.indirect.gather [hbm4b:s1+s15], $0x40, s15, s15, $0xb8;
	[tilespmem:$0x14800] =	vst v63  }
0x36: {  	s18 =	simm.s32 $0x100  }
0x37: {  	[tilespmem:s22], [sflag:$0x3] =	stream.indirect.gather [hbm4b:s1+s15], $0x40, s18, s15, $0xb8;
	[tilespmem:$0x14800] =	vst v63  }
0x38: {  	s2 =	simm.s32 $0x180  }
0x39: {  	[tilespmem:s23], [sflag:$0x4] =	stream.indirect.gather [hbm4b:s1+s15], $0x40, s2, s15, $0xb8;
	[tilespmem:$0x14800] =	vst v63  }
0x3a: {  	_ =	swait.ge [sflag:s24], $0x2000  }
0x3b: {  	[sflag:s24] =	ssyncset.done $0x0  }
0x3c: {  	s18 =	simm.s32 $0x1400;
	[sflag:s24] =	ssyncadd.s32 $0xFFFFE000  }
0x3d: {  	[spmem:s3] =	stream.indirect.scatter.add.f32 [tilespmem:s19], [sflag:$0x5], $0x40, s18, s15, $0xb8;
	[tilespmem:$0x14800] =	vst v63  }
0x3e: {  	_ =	swait.ge [sflag:s17], $0x2000  }
0x3f: {  	[sflag:s17] =	ssyncset.done $0x0  }
0x40: {  	s2 =	simm.s32 $0x200;
	[sflag:s17] =	ssyncadd.s32 $0xFFFFE000  }
0x41: {  	[tilespmem:s19], [sflag:$0x1] =	stream.indirect.gather [hbm4b:s1+s15], $0x40, s2, s15, $0xb8;
	[tilespmem:$0x14800] =	vst v63  }
0x42: {  	_ =	swait.ge [sflag:s26], $0x2000  }
0x43: {  	[sflag:s26] =	ssyncset.done $0x0  }
0x44: {  	s18 =	simm.s32 $0x1480;
	[sflag:s26] =	ssyncadd.s32 $0xFFFFE000  }
0x45: {  	[spmem:s3] =	stream.indirect.scatter.add.f32 [tilespmem:s20], [sflag:$0x5], $0x40, s18, s15, $0xb8;
	[tilespmem:$0x14800] =	vst v63  }
0x46: {  	_ =	swait.ge [sflag:s17], $0x2000  }
0x47: {  	[sflag:s17] =	ssyncset.done $0x0  }
0x48: {  	s2 =	simm.s32 $0x280;
	[sflag:s17] =	ssyncadd.s32 $0xFFFFE000  }
0x49: {  	[tilespmem:s20], [sflag:$0x2] =	stream.indirect.gather [hbm4b:s1+s15], $0x40, s2, s15, $0xb8;
	[tilespmem:$0x14800] =	vst v63  }
0x4a: {  	_ =	swait.ge [sflag:s28], $0x2000  }
0x4b: {  	[sflag:s28] =	ssyncset.done $0x0  }
0x4c: {  	s18 =	simm.s32 $0x1500;
	[sflag:s28] =	ssyncadd.s32 $0xFFFFE000  }
0x4d: {  	[spmem:s3] =	stream.indirect.scatter.add.f32 [tilespmem:s22], [sflag:$0x5], $0x40, s18, s15, $0xb8;
	[tilespmem:$0x14800] =	vst v63  }
0x4e: {  	_ =	swait.ge [sflag:s17], $0x2000  }
0x4f: {  	[sflag:s17] =	ssyncset.done $0x0  }
0x50: {  	s2 =	simm.s32 $0x300;
	[sflag:s17] =	ssyncadd.s32 $0xFFFFE000  }
0x51: {  	[tilespmem:s22], [sflag:$0x3] =	stream.indirect.gather [hbm4b:s1+s15], $0x40, s2, s15, $0xb8;
	[tilespmem:$0x14800] =	vst v63  }
0x52: {  	_ =	swait.ge [sflag:s29], $0x2000  }
0x53: {  	[sflag:s29] =	ssyncset.done $0x0  }
0x54: {  	s18 =	simm.s32 $0x1580;
	[sflag:s29] =	ssyncadd.s32 $0xFFFFE000  }
0x55: {  	[spmem:s3] =	stream.indirect.scatter.add.f32 [tilespmem:s23], [sflag:$0x5], $0x40, s18, s15, $0xb8;
	[tilespmem:$0x14800] =	vst v63  }
0x56: {  	_ =	swait.ge [sflag:s17], $0x2000  }
0x57: {  	s31 =	simm.s32 $0x1000;
	s30 =	simm.s32 $0x200;
	[sflag:s17] =	ssyncset.done $0x0  }
.LBB2_2:
0x58: {  	s18 =	sadd.s32 $0x180, s30  }
0x59: {  	[sflag:s17] =	ssyncadd.s32 $0xFFFFE000;
	s0 =	smov.u32 s31;
	s2 =	sadd.s32 $0x800, s31  }
0x5a: {  	[tilespmem:s23], [sflag:$0x4] =	stream.indirect.gather [hbm4b:s1+s15], $0x40, s18, s15, $0xb8;
	[tilespmem:$0x14800] =	vst v63  }
0x5b: {  	p0 =	sne.s32 s31, $0x4000;
	_ =	swait.ge [sflag:s24], $0x2000  }
0x5c: {  	[sflag:s24] =	ssyncset.done $0x0  }
0x5d: {  	s18 =	sadd.s32 $0x1400, s30;
	[sflag:s24] =	ssyncadd.s32 $0xFFFFE000  }
0x5e: {  	[spmem:s3] =	stream.indirect.scatter.add.f32 [tilespmem:s19], [sflag:$0x5], $0x40, s18, s15, $0xb8;
	[tilespmem:$0x14800] =	vst v63  }
0x5f: {  	_ =	swait.ge [sflag:s17], $0x2000  }
0x60: {  	[sflag:s17] =	ssyncset.done $0x0  }
0x61: {  	s18 =	sadd.s32 $0x200, s30;
	[sflag:s17] =	ssyncadd.s32 $0xFFFFE000  }
0x62: {  	[tilespmem:s19], [sflag:$0x1] =	stream.indirect.gather [hbm4b:s1+s15], $0x40, s18, s15, $0xb8;
	[tilespmem:$0x14800] =	vst v63  }
0x63: {  	_ =	swait.ge [sflag:s26], $0x2000  }
0x64: {  	[sflag:s26] =	ssyncset.done $0x0  }
0x65: {  	s18 =	sadd.s32 $0x1480, s30;
	[sflag:s26] =	ssyncadd.s32 $0xFFFFE000  }
0x66: {  	[spmem:s3] =	stream.indirect.scatter.add.f32 [tilespmem:s20], [sflag:$0x5], $0x40, s18, s15, $0xb8;
	[tilespmem:$0x14800] =	vst v63  }
0x67: {  	_ =	swait.ge [sflag:s17], $0x2000  }
0x68: {  	[sflag:s17] =	ssyncset.done $0x0  }
0x69: {  	s18 =	sadd.s32 $0x280, s30;
	[sflag:s17] =	ssyncadd.s32 $0xFFFFE000  }
0x6a: {  	[tilespmem:s20], [sflag:$0x2] =	stream.indirect.gather [hbm4b:s1+s15], $0x40, s18, s15, $0xb8;
	[tilespmem:$0x14800] =	vst v63  }
0x6b: {  	_ =	swait.ge [sflag:s28], $0x2000  }
0x6c: {  	[sflag:s28] =	ssyncset.done $0x0  }
0x6d: {  	s18 =	sadd.s32 $0x1500, s30;
	[sflag:s28] =	ssyncadd.s32 $0xFFFFE000  }
0x6e: {  	[spmem:s3] =	stream.indirect.scatter.add.f32 [tilespmem:s22], [sflag:$0x5], $0x40, s18, s15, $0xb8;
	[tilespmem:$0x14800] =	vst v63  }
0x6f: {  	_ =	swait.ge [sflag:s17], $0x2000  }
0x70: {  	[sflag:s17] =	ssyncset.done $0x0  }
0x71: {  	s18 =	sadd.s32 $0x300, s30;
	[sflag:s17] =	ssyncadd.s32 $0xFFFFE000  }
0x72: {  	[tilespmem:s22], [sflag:$0x3] =	stream.indirect.gather [hbm4b:s1+s15], $0x40, s18, s15, $0xb8;
	[tilespmem:$0x14800] =	vst v63  }
0x73: {  	_ =	swait.ge [sflag:s29], $0x2000  }
.Ltmp0:
0x74: {  	[sflag:s29] =	ssyncset.done $0x0;
	(pc) =	sbr.rel @p0 .LBB2_2-.Ltmp0, $4  }
0x75: {  	s18 =	sadd.s32 $0x1580, s30;
	[sflag:s29] =	ssyncadd.s32 $0xFFFFE000  }
0x76: {  	[spmem:s3] =	stream.indirect.scatter.add.f32 [tilespmem:s23], [sflag:$0x5], $0x40, s18, s15, $0xb8;
	[tilespmem:$0x14800] =	vst v63  }
0x77: {  	_ =	swait.ge [sflag:s17], $0x2000  }
0x78: {  	s31 =	smov.u32 s2;
	s30 =	sshra.s32 s0, $0x2;
	[sflag:s17] =	ssyncset.done $0x0  }
0x79: {  	s0 =	sadd.s32 $0x180, s30;
	[sflag:s17] =	ssyncadd.s32 $0xFFFFE000  }
0x7a: {  	[tilespmem:s23], [sflag:$0x4] =	stream.indirect.gather [hbm4b:s1+s15], $0x40, s0, s15, $0xb8;
	[tilespmem:$0x14800] =	vst v63  }
0x7b: {  	_ =	swait.ge [sflag:s24], $0x2000  }
0x7c: {  	[sflag:s24] =	ssyncset.done $0x0  }
0x7d: {  	s18 =	sadd.s32 $0x1400, s30;
	[sflag:s24] =	ssyncadd.s32 $0xFFFFE000  }
0x7e: {  	[spmem:s3] =	stream.indirect.scatter.add.f32 [tilespmem:s19], [sflag:$0x5], $0x40, s18, s15, $0xb8;
	[tilespmem:$0x14800] =	vst v63  }
0x7f: {  	_ =	swait.ge [sflag:s17], $0x2000  }
0x80: {  	[sflag:s17] =	ssyncset.done $0x0  }
0x81: {  	s31 =	sadd.s32 $0x200, s30;
	[sflag:s17] =	ssyncadd.s32 $0xFFFFE000  }
0x82: {  	[tilespmem:s19], [sflag:$0x1] =	stream.indirect.gather [hbm4b:s1+s15], $0x40, s31, s15, $0xb8;
	[tilespmem:$0x14800] =	vst v63  }
0x83: {  	_ =	swait.ge [sflag:s26], $0x2000  }
0x84: {  	[sflag:s26] =	ssyncset.done $0x0  }
0x85: {  	s2 =	sadd.s32 $0x1480, s30;
	[sflag:s26] =	ssyncadd.s32 $0xFFFFE000  }
0x86: {  	[spmem:s3] =	stream.indirect.scatter.add.f32 [tilespmem:s20], [sflag:$0x5], $0x40, s2, s15, $0xb8;
	[tilespmem:$0x14800] =	vst v63  }
0x87: {  	_ =	swait.ge [sflag:s17], $0x2000  }
0x88: {  	[sflag:s17] =	ssyncset.done $0x0  }
0x89: {  	s18 =	sadd.s32 $0x280, s30;
	[sflag:s17] =	ssyncadd.s32 $0xFFFFE000  }
0x8a: {  	[tilespmem:s20], [sflag:$0x2] =	stream.indirect.gather [hbm4b:s1+s15], $0x40, s18, s15, $0xb8;
	[tilespmem:$0x14800] =	vst v63  }
0x8b: {  	_ =	swait.ge [sflag:s28], $0x2000  }
0x8c: {  	[sflag:s28] =	ssyncset.done $0x0  }
0x8d: {  	s31 =	sadd.s32 $0x1500, s30;
	[sflag:s28] =	ssyncadd.s32 $0xFFFFE000  }
0x8e: {  	[spmem:s3] =	stream.indirect.scatter.add.f32 [tilespmem:s22], [sflag:$0x5], $0x40, s31, s15, $0xb8;
	[tilespmem:$0x14800] =	vst v63  }
0x8f: {  	_ =	swait.ge [sflag:s17], $0x2000  }
0x90: {  	[sflag:s17] =	ssyncset.done $0x0  }
0x91: {  	s2 =	sadd.s32 $0x300, s30;
	[sflag:s17] =	ssyncadd.s32 $0xFFFFE000  }
0x92: {  	[tilespmem:s22], [sflag:$0x3] =	stream.indirect.gather [hbm4b:s1+s15], $0x40, s2, s15, $0xb8;
	[tilespmem:$0x14800] =	vst v63  }
0x93: {  	_ =	swait.ge [sflag:s29], $0x2000  }
0x94: {  	[sflag:s29] =	ssyncset.done $0x0  }
0x95: {  	s18 =	sadd.s32 $0x1580, s30;
	[sflag:s29] =	ssyncadd.s32 $0xFFFFE000  }
0x96: {  	[spmem:s3] =	stream.indirect.scatter.add.f32 [tilespmem:s23], [sflag:$0x5], $0x40, s18, s15, $0xb8;
	[tilespmem:$0x14800] =	vst v63  }
0x97: {  	_ =	swait.ge [sflag:s17], $0x2000  }
0x98: {  	[sflag:s17] =	ssyncset.done $0x0  }
0x99: {  	s30 =	simm.s32 $0x1380;
	[sflag:s17] =	ssyncadd.s32 $0xFFFFE000  }
0x9a: {  	[tilespmem:s23], [sflag:$0x4] =	stream.indirect.gather [hbm4b:s1+s15], $0x40, s30, s15, $0xb8;
	[tilespmem:$0x14800] =	vst v63  }
0x9b: {  	_ =	swait.ge [sflag:s24], $0x2000  }
0x9c: {  	[sflag:s24] =	ssyncset.done $0x0  }
0x9d: {  	s31 =	simm.s32 $0x2600;
	[sflag:s24] =	ssyncadd.s32 $0xFFFFE000  }
0x9e: {  	[spmem:s3] =	stream.indirect.scatter.add.f32 [tilespmem:s19], [sflag:$0x5], $0x40, s31, s15, $0xb8;
	[tilespmem:$0x14800] =	vst v63  }
0x9f: {  	_ =	swait.ge [sflag:s17], $0x2000  }
0xa0: {  	[sflag:s17] =	ssyncset.done $0x0  }
0xa1: {  	[sflag:s17] =	ssyncadd.s32 $0xFFFFE000  }
0xa2: {  	_ =	swait.ge [sflag:s26], $0x2000  }
0xa3: {  	[sflag:s26] =	ssyncset.done $0x0  }
0xa4: {  	s2 =	simm.s32 $0x2680;
	[sflag:s26] =	ssyncadd.s32 $0xFFFFE000  }
0xa5: {  	[spmem:s3] =	stream.indirect.scatter.add.f32 [tilespmem:s20], [sflag:$0x5], $0x40, s2, s15, $0xb8;
	[tilespmem:$0x14800] =	vst v63  }
0xa6: {  	_ =	swait.ge [sflag:s17], $0x2000  }
0xa7: {  	[sflag:s17] =	ssyncset.done $0x0  }
0xa8: {  	[sflag:s17] =	ssyncadd.s32 $0xFFFFE000  }
0xa9: {  	_ =	swait.ge [sflag:s28], $0x2000  }
0xaa: {  	[sflag:s28] =	ssyncset.done $0x0  }
0xab: {  	s18 =	simm.s32 $0x2700;
	[sflag:s28] =	ssyncadd.s32 $0xFFFFE000  }
0xac: {  	[spmem:s3] =	stream.indirect.scatter.add.f32 [tilespmem:s22], [sflag:$0x5], $0x40, s18, s15, $0xb8;
	[tilespmem:$0x14800] =	vst v63  }
0xad: {  	_ =	swait.ge [sflag:s17], $0x2000  }
0xae: {  	[sflag:s17] =	ssyncset.done $0x0  }
0xaf: {  	[sflag:s17] =	ssyncadd.s32 $0xFFFFE000  }
0xb0: {  	_ =	swait.ge [sflag:s29], $0x2000  }
0xb1: {  	[sflag:s29] =	ssyncset.done $0x0  }
0xb2: {  	s30 =	simm.s32 $0x2780;
	[sflag:s29] =	ssyncadd.s32 $0xFFFFE000  }
0xb3: {  	[spmem:s3] =	stream.indirect.scatter.add.f32 [tilespmem:s23], [sflag:$0x5], $0x40, s30, s15, $0xb8;
	[tilespmem:$0x14800] =	vst v63  }
0xb4: {  	_ =	swait.ge [sflag:s17], $0x2000  }
0xb5: {  	s21 =	sadd.s32 $0x1, s21;
	s31 =	stileid.u32;
	[sflag:s17] =	ssyncset.done $0x0  }
0xb6: {  	p0 =	sne.s32 s21, s10;
	s0 =	sshll.u32 s31, $0x6;
	[sflag:s17] =	ssyncadd.s32 $0xFFFFE000  }
.Ltmp1:
0xb7: {  	s0 =	sor.u32 $0x1C05, s0;
	[bflag:$0x0] =	sbarrier.arrive $0xFFFF;
	(pc) =	sbr.rel @p0 .LBB2_1-.Ltmp1, $4  }
0xb8: {  	[hbm:s9], [sflag:s0] =	dma.local [spmem:s25], $0x1400  }
0xb9: {  	_ =	swait.ge [sflag:s17], $0x1400  }
0xba: {  	[sflag:s17] =	ssyncset.done $0x0  }
0xbb: {  	[sflag:s17] =	ssyncadd.s32 $0xFFFFEC00  }
0xbc: {  	_ =	sfence.sel $0x180000  }
0xbd: {  	[bflag:$0x0] =	sbarrier.arrive $0xFFFF  }
0xbe: {  	_ =	strace $0x9000004A  }
0xbf: {  	s0 =	stileid.u32;
	[bflag:$0x2] =	sbarrier.arrive $0xFFFF  }
0xc0: {  	p0 =	sne.s32 s0, $0x0;
	s0 =	rddreg [dreg:$0x3]  }
0xc1: {  	s0 =	sadd.s32 @!p0 $0x100000, s0  }
0xc2: {  	[sflag:s0] =	ssyncadd.tile.s32 @!p0 $0x1;
	_ =	shalt  }
.Lfunc_end2:
_tile_overlayer_lowered:
.L_overlay_start_2:
0xc3: {  	(tag) =	ssettag $0x2  }
0xc4: {  	s0 =	rddreg [dreg:$0x0];
	s2 =	stileid.u32  }
0xc5: {  	s1 =	rddreg [dreg:$0x1];
	p0 =	sne.s32 s2, $0x0  }
0xc6: {  	s3 =	rddreg [dreg:$0x2];
	[bflag:$0x3] =	sbarrier.arrive $0xFFFF;
	s2 =	simm.s32 @!p0 $0x1C05  }
0xc7: {  	[timem:s3], [sflag:s2] =	dma.local @!p0 [hbm:s0], s1  }
0xc8: {  	s0 =	simm.s32 @!p0 $0x5  }
0xc9: {  	_ =	swait.ge @!p0 [sflag:s0], s1  }
0xca: {  	s1 =	ssub.s32 @!p0 $0x0, s1;
	[sflag:s0] =	ssyncset.done @!p0 $0x0  }
0xcb: {  	[sflag:s0] =	ssyncadd.s32 @!p0 s1  }
0xcc: {  	[bflag:$0x3] =	sbarrier.arrive $0xFFFF  }
0xcd: {  	_ =	shalt  }

// kernel: kernel.14.cloned.1.call-start
scs
__scs_entry_jumppad:
0x0: {  	(pc) =	sbr.rel $0x88, $3  }
0x1: {  	(tag) =	ssettag $0x0;
	lr =	simm.s32 $0x1  }
0x2: {  	[smem:$0x3F9B] =	sst lr;
	_ =	strace $0xD0000000  }
0x3: {  	_ = 	snop  }
0x4: {  	_ = 	snop  }
0x5: {  	_ = 	snop  }
0x6: {  	_ = 	snop  }
0x7: {  	_ = 	snop  }
__scs_overlays_trampoline_lowered:
0x8: {  	[smem:$0x3FAA] =	sst s0  }
0x9: {  	[smem:$0x3FAB] =	sst s1  }
0xa: {  	[smem:$0x3FAC] =	sst s2  }
0xb: {  	[smem:$0x3FAD] =	sst s3  }
0xc: {  	[smem:$0x3FAE] =	sst s4  }
0xd: {  	[smem:$0x3FAF] =	sst s5  }
0xe: {  	[smem:$0x3FB0] =	sst s6  }
0xf: {  	[smem:$0x3FB1] =	sst s7  }
0x10: {  	[smem:$0x3FB2] =	sst s8  }
0x11: {  	[smem:$0x3FB3] =	sst s9;
	s0 =	simm.s32 @!p0 $0x0  }
0x12: {  	s1 =	sld [smem:$0x3F99];
	s0 =	simm.s32 @p0 $0x1  }
0x13: {  	[smem:$0x3FB4] =	sst s0;
	s0 =	simm.s32 @!p1 $0x0  }
0x14: {  	s2 =	sld [smem:$0x3F98];
	s0 =	simm.s32 @p1 $0x1  }
0x15: {  	[smem:$0x3FB5] =	sst s0;
	s0 =	simm.s32 @!p2 $0x0  }
0x16: {  	s3 =	sld [smem:$0x3FDB];
	s0 =	simm.s32 @p2 $0x1  }
0x17: {  	s4 =	simm.s32 $0x1BF5;
	[smem:$0x3FB7] =	sst s0  }
0x18: {  	s0 =	sld [smem:$0x3F9A];
	_ =	swait.ge [sflag:s4], $0x0  }
0x19: {  	s7 =	sld [smem:$0x3F9B]  }
0x1a: {  	s8 =	sadd.s32 $0xFFFFE003, lr  }
0x1b: {  	s9 =	sadd.s32 $0xFFFFFEF7, lr;
	s5 =	simm.s32 $0xFFFFFFFF;
	p2 =	slt.u32 s8, $0xFFFFF086  }
0x1c: {  	p1 =	slt.u32 s9, $0xF7A;
	s5 =	simm.s32 @!p2 $0x0  }
0x1d: {  	s5 =	simm.s32 @p1 $0x1;
	p0 =	seq.s32 s7, s2  }
0x1e: {  	s7 =	smul.u32 @!p0 $0xF7A, s2;
	p2 =	seq.s32 @!p0 s5, $0x0  }
0x1f: {  	s9 =	smul.u32 $0xF7A, s1;
	s8 =	simm.s32 @!p0 $0x1BF5;
	p2 =	por !p2, p0  }
0x20: {  	[sflag:s8] =	ssyncset.s32 @!p0 $0xFFFFF086;
	s6 =	sadd.s32 @!p0 s3, s7;
	s7 =	simm.s32 @!p0 $0x108  }
0x21: {  	s3 =	sadd.s32 s3, s9;
	s6 =	sadd.s32 @!p0 $0x88, s6;
	s7 =	simm.s32 @p2 $0x1082  }
0x22: {  	[simem:s7], [sflag:s8] =	dma.local @!p0 [hbm:s6], $0xF7A  }
0x23: {  	s9 =	sor.u32 $0xD0000000, s2;
	s6 =	simm.s32 $0x108;
	_ =	swait.ge @!p0 [sflag:s8], $0x0  }
0x24: {  	s3 =	sadd.s32 $0x88, s3;
	s6 =	simm.s32 @!p1 $0x1082;
	[sflag:s4] =	ssyncset.s32 $0xFFFFF086  }
0x25: {  	[simem:s6], [sflag:s4] =	dma.local [hbm:s3], $0xF7A  }
0x26: {  	[smem:$0x3F9B] =	sst s1;
	(tag) =	ssettag s2;
	_ =	strace s9  }
0x27: {  	s1 =	sld [smem:$0x3FAB]  }
0x28: {  	s2 =	sld [smem:$0x3FAC]  }
0x29: {  	s4 =	sld [smem:$0x3FAE]  }
0x2a: {  	p0 =	seq.s32 s5, $0x0;
	s5 =	sld [smem:$0x3FAF]  }
0x2b: {  	s6 =	sld [smem:$0x3FB0]  }
0x2c: {  	s7 =	sld [smem:$0x3FB1]  }
0x2d: {  	s3 =	simm.s32 $0x108;
	s8 =	sld [smem:$0x3FB2]  }
0x2e: {  	s3 =	simm.s32 @!p0 $0x1082;
	s9 =	sld [smem:$0x3FB3]  }
0x2f: {  	lr =	sadd.s32 s0, s3;
	s0 =	sld [smem:$0x3FAA]  }
0x30: {  	s3 =	sld [smem:$0x3FAD]  }
0x31: {  	[smem:$0x3FB6] =	sst s10  }
0x32: {  	s10 =	sld [smem:$0x3FB4];
	_ =	sdelay $0x3  }
0x33: {  	p0 =	seq.s32 s10, $0x1;
	s10 =	sld [smem:$0x3FB6];
	_ =	sdelay $0x3  }
0x34: {  	[smem:$0x3FB6] =	sst s10  }
0x35: {  	s10 =	sld [smem:$0x3FB5];
	_ =	sdelay $0x3  }
0x36: {  	p1 =	seq.s32 s10, $0x1;
	s10 =	sld [smem:$0x3FB6];
	_ =	sdelay $0x3  }
0x37: {  	[smem:$0x3FB6] =	sst s10  }
0x38: {  	s10 =	sld [smem:$0x3FB7]  }
0x39: {  	_ = 	snop;
	(pc) =	sbr.ind lr, $3  }
0x3a: {  	_ = 	snop  }
0x3b: {  	_ = 	snop  }
0x3c: {  	p2 =	seq.s32 s10, $0x1;
	s10 =	sld [smem:$0x3FB6]  }
0x3d: {  	_ =	shalt  }
0x3e: {  	_ =	shalt  }
0x3f: {  	_ =	shalt  }
0x40: {  	_ =	shalt  }
0x41: {  	_ =	shalt  }
0x42: {  	_ =	shalt  }
0x43: {  	_ =	shalt  }
0x44: {  	_ =	shalt  }
0x45: {  	_ =	shalt  }
0x46: {  	_ =	shalt  }
0x47: {  	_ =	shalt  }
0x48: {  	_ =	shalt  }
0x49: {  	_ =	shalt  }
0x4a: {  	_ =	shalt  }
0x4b: {  	_ =	shalt  }
0x4c: {  	_ =	shalt  }
0x4d: {  	_ =	shalt  }
0x4e: {  	_ =	shalt  }
0x4f: {  	_ =	shalt  }
0x50: {  	_ =	shalt  }
0x51: {  	_ =	shalt  }
0x52: {  	_ =	shalt  }
0x53: {  	_ =	shalt  }
0x54: {  	_ =	shalt  }
0x55: {  	_ =	shalt  }
0x56: {  	_ =	shalt  }
0x57: {  	_ =	shalt  }
0x58: {  	_ =	shalt  }
0x59: {  	_ =	shalt  }
0x5a: {  	_ =	shalt  }
0x5b: {  	_ =	shalt  }
0x5c: {  	_ =	shalt  }
0x5d: {  	_ =	shalt  }
0x5e: {  	_ =	shalt  }
0x5f: {  	_ =	shalt  }
0x60: {  	_ =	shalt  }
0x61: {  	_ =	shalt  }
0x62: {  	_ =	shalt  }
0x63: {  	_ =	shalt  }
0x64: {  	_ =	shalt  }
0x65: {  	_ =	shalt  }
0x66: {  	_ =	shalt  }
0x67: {  	_ =	shalt  }
0x68: {  	_ =	shalt  }
0x69: {  	_ =	shalt  }
0x6a: {  	_ =	shalt  }
0x6b: {  	_ =	shalt  }
0x6c: {  	_ =	shalt  }
0x6d: {  	_ =	shalt  }
0x6e: {  	_ =	shalt  }
0x6f: {  	_ =	shalt  }
0x70: {  	_ =	shalt  }
0x71: {  	_ =	shalt  }
0x72: {  	_ =	shalt  }
0x73: {  	_ =	shalt  }
0x74: {  	_ =	shalt  }
0x75: {  	_ =	shalt  }
0x76: {  	_ =	shalt  }
0x77: {  	_ =	shalt  }
0x78: {  	_ =	shalt  }
0x79: {  	_ =	shalt  }
0x7a: {  	_ =	shalt  }
0x7b: {  	_ =	shalt  }
0x7c: {  	_ =	shalt  }
0x7d: {  	_ =	shalt  }
0x7e: {  	_ =	shalt  }
0x7f: {  	_ =	shalt  }
0x80: {  	_ =	shalt  }
0x81: {  	_ =	shalt  }
0x82: {  	_ =	shalt  }
0x83: {  	_ =	shalt  }
0x84: {  	_ =	shalt  }
0x85: {  	_ =	shalt  }
0x86: {  	_ =	shalt  }
0x87: {  	_ =	shalt  }
.Lfunc_end0:
.L_simem_size_0:
called_computation.2_lowered:
.L_overlay_start_0:
0x88: {  	s2 =	sld [smem:$0x3FD9]  }
0x89: {  	s3 =	sld [smem:$0x3FFE];
	_ =	sdelay $0x1  }
0x8a: {  	s1 =	srdreg.scid  }
0x8b: {  	s0 =	sand.u32 $0x1, s1  }
0x8c: {  	s17 =	sshll.u32 s0, $0xA;
	s2 =	sadd.s32 s3, s2  }
0x8d: {  	s2 =	sadd.s32 s2, s17  }
0x8e: {  	[smem:$0x3FC2] =	sst s2  }
0x8f: {  	_ = 	snop  }
0x90: {  	s2 =	sld [smem:$0x3FD0];
	(tm) =	ssettm $0x1  }
0x91: {  	s18 =	sld [smem:$0x3FFB];
	_ =	sdelay $0x3  }
0x92: {  	_ =	strace s18  }
0x93: {  	s3 =	sld [smem:$0x3FFC];
	_ =	sdelay $0x3  }
0x94: {  	_ =	strace s3  }
0x95: {  	s3 =	sld [smem:$0x3FFD];
	_ =	sdelay $0x3  }
0x96: {  	_ =	strace s3  }
0x97: {  	_ =	strace $0x8FFFFFFF  }
0x98: {  	s19 =	sld [smem:$0x3FDB];
	_ =	sdelay $0x1  }
0x99: {  	s4 =	simm.s32 $_scs_section_size  }
0x9a: {  	s5 =	simm.s32 $_size__tile_overlayer_lowered;
	s6 =	simm.s32 $_tile_overlayer_lowered  }
0x9b: {  	s22 =	simm.s32 $0x1BFF;
	s21 =	sshll.u32 s6, $0x1;
	s3 =	sadd.s32 s4, s19  }
0x9c: {  	s7 =	simm.s32 $0x0;
	s20 =	sshll.u32 s5, $0x1;
	s5 =	sadd.s32 s21, s3  }
0x9d: {  	[timem:s7], [sflag:s22] =	dma.local [hbm:s5], s20  }
0x9e: {  	_ =	swait.ge [sflag:s22], s20  }
0x9f: {  	s4 =	ssub.s32 $0x0, s20;
	[sflag:s22] =	ssyncset.done $0x0  }
0xa0: {  	[sflag:s22] =	ssyncadd.s32 s4;
	_ =	sdelay $0x1  }
0xa1: {  	s23 =	simm.s32 $0x1B8B  }
0xa2: {  	_ =	swait.ge [sflag:s23], $0x1  }
0xa3: {  	[sflag:s23] =	ssyncset.done $0x0  }
0xa4: {  	s25 =	simm.s32 $0x1B8E;
	s24 =	sld [smem:$0x3FFE];
	[sflag:s23] =	ssyncadd.s32 $0xFFFFFFFF  }
0xa5: {  	s26 =	simm.s32 $execute0_lowered;
	[smem:$0x3FD2] =	sst s25  }
0xa6: {  	s5 =	sshll.u32 s26, $0x1;
	_ =	strace $0x8000004C;
	[dreg:$0x1] =	wrdreg $0xFFFFFFFF  }
0xa7: {  	s28 =	simm.s32 $_size_execute0_lowered;
	s3 =	sadd.s32 s3, s5;
	[dreg:$0x0] =	wrdreg $0x0  }
0xa8: {  	s5 =	sshll.u32 s28, $0x1;
	[dreg:$0x2] =	wrdreg s3  }
0xa9: {  	[dreg:$0x3] =	wrdreg s5  }
0xaa: {  	[dreg:$0x4] =	wrdreg $0xC0  }
0xab: {  	_ =	task [dreg:s7], $0x5FFFF  }
0xac: {  	[dreg:$0x1] =	wrdreg $0xFFFFFFFF  }
0xad: {  	[dreg:$0x0] =	wrdreg $0x60  }
0xae: {  	[dreg:$0x2] =	wrdreg s2  }
0xaf: {  	[dreg:$0x3] =	wrdreg s24  }
0xb0: {  	[dreg:$0x4] =	wrdreg $0xA8000  }
0xb1: {  	[dreg:$0x5] =	wrdreg $0x9  }
0xb2: {  	_ =	task.clear_ibuf [dreg:s7], $0x6FFFF;
	_ =	strace $0x9000004C  }
0xb3: {  	s29 =	simm.s32 $0x9;
	_ =	strace $0x8000004E  }
0xb4: {  	_ =	swait.ge [sflag:s29], $0x1  }
0xb5: {  	[sflag:s29] =	ssyncadd.s32 $0xFFFFFFFF  }
0xb6: {  	_ =	strace $0x9000004E  }
0xb7: {  	_ =	sfence  }
0xb8: {  	s30 =	sld [smem:$0x0];
	_ =	sdelay $0x2  }
0xb9: {  	s31 =	sshll.u32 s1, $0xD;
	s1 =	sshrl.u32 s1, $0x2  }
0xba: {  	s3 =	sand.u32 $0x4000, s31;
	s1 =	sadd.s32 s1, s30  }
0xbb: {  	s0 =	sor.u32 s3, s0;
	s1 =	sshll.u32 s1, $0x11  }
0xbc: {  	s0 =	sor.u32 s1, s0  }
0xbd: {  	s0 =	sadd.s32 $0x8F2B, s0  }
0xbe: {  	[sflag:s0] =	ssyncadd.remote.s32 $0x1  }
0xbf: {  	_ =	sfence.sel $0xFFFF  }
0xc0: {  	[dreg:$0x0] =	wrdreg $0xFFFFFFFF;
	(pc) =	sbr.abs _section_cstart, $3  }
0xc1: {  	[dreg:$0x1] =	wrdreg $0xFFFFFFFF  }
0xc2: {  	_ =	task.clear_ibuf [dreg:s7], $0x2FFFF;
	_ =	strace $0x9FFFFFFF  }
0xc3: {  	(tm) =	ssettm $0x7FFFFFFF  }
tec
execute0_lowered:
.L_overlay_start_1:
0x0: {  	(tag) =	ssettag $0x1  }
0x1: {  	s1 =	rddreg [dreg:$0x0]  }
0x2: {  	s0 =	rddreg [dreg:$0x1]  }
0x3: {  	s3 =	rddreg [dreg:$0x2];
	s2 =	srdreg.scid;
	s4 =	simm.s32 $0x0  }
0x4: {  	s9 =	stileid.u32;
	s15 =	simm.s32 $0x80;
	s16 =	simm.s32 $0x1000  }
0x5: {  	s17 =	simm.s32 $0x5;
	s19 =	simm.s32 $0x2800;
	s20 =	simm.s32 $0x4800  }
0x6: {  	s22 =	simm.s32 $0x6800;
	s23 =	simm.s32 $0x8800;
	s28 =	simm.s32 $0x3  }
0x7: {  	s29 =	simm.s32 $0x4;
	s21 =	simm.s32 $0x0;
	s10 =	smul.u32 $0xA000, s9  }
0x8: {  	s2 =	sand.u32 $0x1, s2;
	s6 =	sshll.u32 s9, $0x4;
	s25 =	smul.u32 $0x28000, s9  }
0x9: {  	[smem:$0x7FF] =	sst s4;
	s5 =	sshll.u32 s2, $0x8;
	s7 =	smul.u32 $0xA0000, s2  }
0xa: {  	_ =	strace $0x8000004D;
	s2 =	ssub.s32 $0x2, s2;
	s5 =	sor.u32 s6, s5  }
0xb: {  	s26 =	sshrl.u32 s2, $0x1;
	s30 =	sshrl.u32 s25, $0x2;
	s31 =	sadd.s32 s10, s3  }
0xc: {  	s8 =	sadd.s32 s5, s0;
	s24 =	sadd.s32 s10, s7;
	s5 =	sadd.s32 $0x7600, s0  }
0xd: {  	s2 =	ssub.s32 s2, s26;
	s25 =	sshrl.u32 s31, $0x3;
	s26 =	simm.s32 $0x2  }
0xe: {  	s6 =	sshrl.u32 s24, $0x3;
	s7 =	sadd.s32 $0x2600, s8;
	s10 =	smax.u32 s2, $0x1  }
0xf: {  	s0 =	sadd.s32 s6, s0;
	s6 =	sadd.s32 $0x8200, s8;
	s8 =	sadd.s32 s30, s3  }
0x10: {  	s24 =	simm.s32 $0x1;
	s9 =	sadd.s32 $0xD200, s0;
	s11 =	sadd.s32 $0x2000, s8  }
0x11: {  	s12 =	sadd.s32 $0x4000, s8;
	s13 =	sadd.s32 $0x6000, s8;
	s14 =	sadd.s32 $0x8000, s8  }
.LBB2_1:
0x12: {  	[tilespmem:s4], [sflag:$0x5] =	stream.strided.gather [hbm4b:s6+s15], $0x1400, s16, s15, $0x38;
	[tilespmem:$0x14800] =	vst v63  }
0x13: {  	_ =	swait.ge [sflag:s17], $0x1400  }
0x14: {  	[sflag:s17] =	ssyncset.done $0x0  }
0x15: {  	s0 =	simm.s32 $0x1400;
	[sflag:s17] =	ssyncadd.s32 $0xFFFFEC00  }
0x16: {  	[tilespmem:s0], [sflag:$0x5] =	stream.strided.gather [hbm4b:s7+s15], $0x1400, s16, s15, $0x38;
	[tilespmem:$0x14800] =	vst v63  }
0x17: {  	_ =	swait.ge [sflag:s17], $0x1400  }
0x18: {  	[sflag:s17] =	ssyncset.done $0x0  }
0x19: {  	[sflag:s17] =	ssyncadd.s32 $0xFFFFEC00  }
0x1a: {  	[tilespmem:s19], [sflag:$0x5] =	stream.linear.gather [hbm4b:s5+s4], $0x2000, $0x38;
	[tilespmem:$0x14800] =	vst v63  }
0x1b: {  	_ =	swait.ge [sflag:s17], $0x2000  }
0x1c: {  	[sflag:s17] =	ssyncset.done $0x0  }
0x1d: {  	[sflag:s17] =	ssyncadd.s32 $0xFFFFE000  }
0x1e: {  	[spmem:s8] =	stream.linear.scatter [tilespmem:s19], [sflag:$0x5], $0x2000, $0x38;
	[tilespmem:$0x14800] =	vst v63  }
0x1f: {  	_ =	swait.ge [sflag:s17], $0x2000  }
0x20: {  	[sflag:s17] =	ssyncset.done $0x0  }
0x21: {  	[sflag:s17] =	ssyncadd.s32 $0xFFFFE000  }
0x22: {  	[spmem:s11] =	stream.linear.scatter [tilespmem:s19], [sflag:$0x5], $0x2000, $0x38;
	[tilespmem:$0x14800] =	vst v63  }
0x23: {  	_ =	swait.ge [sflag:s17], $0x2000  }
0x24: {  	[sflag:s17] =	ssyncset.done $0x0  }
0x25: {  	[sflag:s17] =	ssyncadd.s32 $0xFFFFE000  }
0x26: {  	[spmem:s12] =	stream.linear.scatter [tilespmem:s19], [sflag:$0x5], $0x2000, $0x38;
	[tilespmem:$0x14800] =	vst v63  }
0x27: {  	_ =	swait.ge [sflag:s17], $0x2000  }
0x28: {  	[sflag:s17] =	ssyncset.done $0x0  }
0x29: {  	[sflag:s17] =	ssyncadd.s32 $0xFFFFE000  }
0x2a: {  	[spmem:s13] =	stream.linear.scatter [tilespmem:s19], [sflag:$0x5], $0x2000, $0x38;
	[tilespmem:$0x14800] =	vst v63  }
0x2b: {  	_ =	swait.ge [sflag:s17], $0x2000  }
0x2c: {  	[sflag:s17] =	ssyncset.done $0x0  }
0x2d: {  	[sflag:s17] =	ssyncadd.s32 $0xFFFFE000  }
0x2e: {  	[spmem:s14] =	stream.linear.scatter [tilespmem:s19], [sflag:$0x5], $0x2000, $0x38;
	[tilespmem:$0x14800] =	vst v63  }
0x2f: {  	_ =	swait.ge [sflag:s17], $0x2000  }
0x30: {  	[sflag:s17] =	ssyncset.done $0x0  }
0x31: {  	[sflag:s17] =	ssyncadd.s32 $0xFFFFE000  }
0x32: {  	[bflag:$0x0] =	sbarrier.arrive $0xFFFF  }
0x33: {  	[tilespmem:s19], [sflag:$0x1] =	stream.indirect.gather [hbm4b:s1+s15], $0x40, s4, s15, $0xb8;
	[tilespmem:$0x14800] =	vst v63  }
0x34: {  	_ = 	snop  }
0x35: {  	[tilespmem:s20], [sflag:$0x2] =	stream.indirect.gather [hbm4b:s1+s15], $0x40, s15, s15, $0xb8;
	[tilespmem:$0x14800] =	vst v63  }
0x36: {  	s18 =	simm.s32 $0x100  }
0x37: {  	[tilespmem:s22], [sflag:$0x3] =	stream.indirect.gather [hbm4b:s1+s15], $0x40, s18, s15, $0xb8;
	[tilespmem:$0x14800] =	vst v63  }
0x38: {  	s2 =	simm.s32 $0x180  }
0x39: {  	[tilespmem:s23], [sflag:$0x4] =	stream.indirect.gather [hbm4b:s1+s15], $0x40, s2, s15, $0xb8;
	[tilespmem:$0x14800] =	vst v63  }
0x3a: {  	_ =	swait.ge [sflag:s24], $0x2000  }
0x3b: {  	[sflag:s24] =	ssyncset.done $0x0  }
0x3c: {  	s18 =	simm.s32 $0x1400;
	[sflag:s24] =	ssyncadd.s32 $0xFFFFE000  }
0x3d: {  	[spmem:s3] =	stream.indirect.scatter.add.f32 [tilespmem:s19], [sflag:$0x5], $0x40, s18, s15, $0xb8;
	[tilespmem:$0x14800] =	vst v63  }
0x3e: {  	_ =	swait.ge [sflag:s17], $0x2000  }
0x3f: {  	[sflag:s17] =	ssyncset.done $0x0  }
0x40: {  	s2 =	simm.s32 $0x200;
	[sflag:s17] =	ssyncadd.s32 $0xFFFFE000  }
0x41: {  	[tilespmem:s19], [sflag:$0x1] =	stream.indirect.gather [hbm4b:s1+s15], $0x40, s2, s15, $0xb8;
	[tilespmem:$0x14800] =	vst v63  }
0x42: {  	_ =	swait.ge [sflag:s26], $0x2000  }
0x43: {  	[sflag:s26] =	ssyncset.done $0x0  }
0x44: {  	s18 =	simm.s32 $0x1480;
	[sflag:s26] =	ssyncadd.s32 $0xFFFFE000  }
0x45: {  	[spmem:s3] =	stream.indirect.scatter.add.f32 [tilespmem:s20], [sflag:$0x5], $0x40, s18, s15, $0xb8;
	[tilespmem:$0x14800] =	vst v63  }
0x46: {  	_ =	swait.ge [sflag:s17], $0x2000  }
0x47: {  	[sflag:s17] =	ssyncset.done $0x0  }
0x48: {  	s2 =	simm.s32 $0x280;
	[sflag:s17] =	ssyncadd.s32 $0xFFFFE000  }
0x49: {  	[tilespmem:s20], [sflag:$0x2] =	stream.indirect.gather [hbm4b:s1+s15], $0x40, s2, s15, $0xb8;
	[tilespmem:$0x14800] =	vst v63  }
0x4a: {  	_ =	swait.ge [sflag:s28], $0x2000  }
0x4b: {  	[sflag:s28] =	ssyncset.done $0x0  }
0x4c: {  	s18 =	simm.s32 $0x1500;
	[sflag:s28] =	ssyncadd.s32 $0xFFFFE000  }
0x4d: {  	[spmem:s3] =	stream.indirect.scatter.add.f32 [tilespmem:s22], [sflag:$0x5], $0x40, s18, s15, $0xb8;
	[tilespmem:$0x14800] =	vst v63  }
0x4e: {  	_ =	swait.ge [sflag:s17], $0x2000  }
0x4f: {  	[sflag:s17] =	ssyncset.done $0x0  }
0x50: {  	s2 =	simm.s32 $0x300;
	[sflag:s17] =	ssyncadd.s32 $0xFFFFE000  }
0x51: {  	[tilespmem:s22], [sflag:$0x3] =	stream.indirect.gather [hbm4b:s1+s15], $0x40, s2, s15, $0xb8;
	[tilespmem:$0x14800] =	vst v63  }
0x52: {  	_ =	swait.ge [sflag:s29], $0x2000  }
0x53: {  	[sflag:s29] =	ssyncset.done $0x0  }
0x54: {  	s18 =	simm.s32 $0x1580;
	[sflag:s29] =	ssyncadd.s32 $0xFFFFE000  }
0x55: {  	[spmem:s3] =	stream.indirect.scatter.add.f32 [tilespmem:s23], [sflag:$0x5], $0x40, s18, s15, $0xb8;
	[tilespmem:$0x14800] =	vst v63  }
0x56: {  	_ =	swait.ge [sflag:s17], $0x2000  }
0x57: {  	s31 =	simm.s32 $0x1000;
	s30 =	simm.s32 $0x200;
	[sflag:s17] =	ssyncset.done $0x0  }
.LBB2_2:
0x58: {  	s18 =	sadd.s32 $0x180, s30  }
0x59: {  	[sflag:s17] =	ssyncadd.s32 $0xFFFFE000;
	s0 =	smov.u32 s31;
	s2 =	sadd.s32 $0x800, s31  }
0x5a: {  	[tilespmem:s23], [sflag:$0x4] =	stream.indirect.gather [hbm4b:s1+s15], $0x40, s18, s15, $0xb8;
	[tilespmem:$0x14800] =	vst v63  }
0x5b: {  	p0 =	sne.s32 s31, $0x4000;
	_ =	swait.ge [sflag:s24], $0x2000  }
0x5c: {  	[sflag:s24] =	ssyncset.done $0x0  }
0x5d: {  	s18 =	sadd.s32 $0x1400, s30;
	[sflag:s24] =	ssyncadd.s32 $0xFFFFE000  }
0x5e: {  	[spmem:s3] =	stream.indirect.scatter.add.f32 [tilespmem:s19], [sflag:$0x5], $0x40, s18, s15, $0xb8;
	[tilespmem:$0x14800] =	vst v63  }
0x5f: {  	_ =	swait.ge [sflag:s17], $0x2000  }
0x60: {  	[sflag:s17] =	ssyncset.done $0x0  }
0x61: {  	s18 =	sadd.s32 $0x200, s30;
	[sflag:s17] =	ssyncadd.s32 $0xFFFFE000  }
0x62: {  	[tilespmem:s19], [sflag:$0x1] =	stream.indirect.gather [hbm4b:s1+s15], $0x40, s18, s15, $0xb8;
	[tilespmem:$0x14800] =	vst v63  }
0x63: {  	_ =	swait.ge [sflag:s26], $0x2000  }
0x64: {  	[sflag:s26] =	ssyncset.done $0x0  }
0x65: {  	s18 =	sadd.s32 $0x1480, s30;
	[sflag:s26] =	ssyncadd.s32 $0xFFFFE000  }
0x66: {  	[spmem:s3] =	stream.indirect.scatter.add.f32 [tilespmem:s20], [sflag:$0x5], $0x40, s18, s15, $0xb8;
	[tilespmem:$0x14800] =	vst v63  }
0x67: {  	_ =	swait.ge [sflag:s17], $0x2000  }
0x68: {  	[sflag:s17] =	ssyncset.done $0x0  }
0x69: {  	s18 =	sadd.s32 $0x280, s30;
	[sflag:s17] =	ssyncadd.s32 $0xFFFFE000  }
0x6a: {  	[tilespmem:s20], [sflag:$0x2] =	stream.indirect.gather [hbm4b:s1+s15], $0x40, s18, s15, $0xb8;
	[tilespmem:$0x14800] =	vst v63  }
0x6b: {  	_ =	swait.ge [sflag:s28], $0x2000  }
0x6c: {  	[sflag:s28] =	ssyncset.done $0x0  }
0x6d: {  	s18 =	sadd.s32 $0x1500, s30;
	[sflag:s28] =	ssyncadd.s32 $0xFFFFE000  }
0x6e: {  	[spmem:s3] =	stream.indirect.scatter.add.f32 [tilespmem:s22], [sflag:$0x5], $0x40, s18, s15, $0xb8;
	[tilespmem:$0x14800] =	vst v63  }
0x6f: {  	_ =	swait.ge [sflag:s17], $0x2000  }
0x70: {  	[sflag:s17] =	ssyncset.done $0x0  }
0x71: {  	s18 =	sadd.s32 $0x300, s30;
	[sflag:s17] =	ssyncadd.s32 $0xFFFFE000  }
0x72: {  	[tilespmem:s22], [sflag:$0x3] =	stream.indirect.gather [hbm4b:s1+s15], $0x40, s18, s15, $0xb8;
	[tilespmem:$0x14800] =	vst v63  }
0x73: {  	_ =	swait.ge [sflag:s29], $0x2000  }
.Ltmp0:
0x74: {  	[sflag:s29] =	ssyncset.done $0x0;
	(pc) =	sbr.rel @p0 .LBB2_2-.Ltmp0, $4  }
0x75: {  	s18 =	sadd.s32 $0x1580, s30;
	[sflag:s29] =	ssyncadd.s32 $0xFFFFE000  }
0x76: {  	[spmem:s3] =	stream.indirect.scatter.add.f32 [tilespmem:s23], [sflag:$0x5], $0x40, s18, s15, $0xb8;
	[tilespmem:$0x14800] =	vst v63  }
0x77: {  	_ =	swait.ge [sflag:s17], $0x2000  }
0x78: {  	s31 =	smov.u32 s2;
	s30 =	sshra.s32 s0, $0x2;
	[sflag:s17] =	ssyncset.done $0x0  }
0x79: {  	s0 =	sadd.s32 $0x180, s30;
	[sflag:s17] =	ssyncadd.s32 $0xFFFFE000  }
0x7a: {  	[tilespmem:s23], [sflag:$0x4] =	stream.indirect.gather [hbm4b:s1+s15], $0x40, s0, s15, $0xb8;
	[tilespmem:$0x14800] =	vst v63  }
0x7b: {  	_ =	swait.ge [sflag:s24], $0x2000  }
0x7c: {  	[sflag:s24] =	ssyncset.done $0x0  }
0x7d: {  	s18 =	sadd.s32 $0x1400, s30;
	[sflag:s24] =	ssyncadd.s32 $0xFFFFE000  }
0x7e: {  	[spmem:s3] =	stream.indirect.scatter.add.f32 [tilespmem:s19], [sflag:$0x5], $0x40, s18, s15, $0xb8;
	[tilespmem:$0x14800] =	vst v63  }
0x7f: {  	_ =	swait.ge [sflag:s17], $0x2000  }
0x80: {  	[sflag:s17] =	ssyncset.done $0x0  }
0x81: {  	s31 =	sadd.s32 $0x200, s30;
	[sflag:s17] =	ssyncadd.s32 $0xFFFFE000  }
0x82: {  	[tilespmem:s19], [sflag:$0x1] =	stream.indirect.gather [hbm4b:s1+s15], $0x40, s31, s15, $0xb8;
	[tilespmem:$0x14800] =	vst v63  }
0x83: {  	_ =	swait.ge [sflag:s26], $0x2000  }
0x84: {  	[sflag:s26] =	ssyncset.done $0x0  }
0x85: {  	s2 =	sadd.s32 $0x1480, s30;
	[sflag:s26] =	ssyncadd.s32 $0xFFFFE000  }
0x86: {  	[spmem:s3] =	stream.indirect.scatter.add.f32 [tilespmem:s20], [sflag:$0x5], $0x40, s2, s15, $0xb8;
	[tilespmem:$0x14800] =	vst v63  }
0x87: {  	_ =	swait.ge [sflag:s17], $0x2000  }
0x88: {  	[sflag:s17] =	ssyncset.done $0x0  }
0x89: {  	s18 =	sadd.s32 $0x280, s30;
	[sflag:s17] =	ssyncadd.s32 $0xFFFFE000  }
0x8a: {  	[tilespmem:s20], [sflag:$0x2] =	stream.indirect.gather [hbm4b:s1+s15], $0x40, s18, s15, $0xb8;
	[tilespmem:$0x14800] =	vst v63  }
0x8b: {  	_ =	swait.ge [sflag:s28], $0x2000  }
0x8c: {  	[sflag:s28] =	ssyncset.done $0x0  }
0x8d: {  	s31 =	sadd.s32 $0x1500, s30;
	[sflag:s28] =	ssyncadd.s32 $0xFFFFE000  }
0x8e: {  	[spmem:s3] =	stream.indirect.scatter.add.f32 [tilespmem:s22], [sflag:$0x5], $0x40, s31, s15, $0xb8;
	[tilespmem:$0x14800] =	vst v63  }
0x8f: {  	_ =	swait.ge [sflag:s17], $0x2000  }
0x90: {  	[sflag:s17] =	ssyncset.done $0x0  }
0x91: {  	s2 =	sadd.s32 $0x300, s30;
	[sflag:s17] =	ssyncadd.s32 $0xFFFFE000  }
0x92: {  	[tilespmem:s22], [sflag:$0x3] =	stream.indirect.gather [hbm4b:s1+s15], $0x40, s2, s15, $0xb8;
	[tilespmem:$0x14800] =	vst v63  }
0x93: {  	_ =	swait.ge [sflag:s29], $0x2000  }
0x94: {  	[sflag:s29] =	ssyncset.done $0x0  }
0x95: {  	s18 =	sadd.s32 $0x1580, s30;
	[sflag:s29] =	ssyncadd.s32 $0xFFFFE000  }
0x96: {  	[spmem:s3] =	stream.indirect.scatter.add.f32 [tilespmem:s23], [sflag:$0x5], $0x40, s18, s15, $0xb8;
	[tilespmem:$0x14800] =	vst v63  }
0x97: {  	_ =	swait.ge [sflag:s17], $0x2000  }
0x98: {  	[sflag:s17] =	ssyncset.done $0x0  }
0x99: {  	s30 =	simm.s32 $0x1380;
	[sflag:s17] =	ssyncadd.s32 $0xFFFFE000  }
0x9a: {  	[tilespmem:s23], [sflag:$0x4] =	stream.indirect.gather [hbm4b:s1+s15], $0x40, s30, s15, $0xb8;
	[tilespmem:$0x14800] =	vst v63  }
0x9b: {  	_ =	swait.ge [sflag:s24], $0x2000  }
0x9c: {  	[sflag:s24] =	ssyncset.done $0x0  }
0x9d: {  	s31 =	simm.s32 $0x2600;
	[sflag:s24] =	ssyncadd.s32 $0xFFFFE000  }
0x9e: {  	[spmem:s3] =	stream.indirect.scatter.add.f32 [tilespmem:s19], [sflag:$0x5], $0x40, s31, s15, $0xb8;
	[tilespmem:$0x14800] =	vst v63  }
0x9f: {  	_ =	swait.ge [sflag:s17], $0x2000  }
0xa0: {  	[sflag:s17] =	ssyncset.done $0x0  }
0xa1: {  	[sflag:s17] =	ssyncadd.s32 $0xFFFFE000  }
0xa2: {  	_ =	swait.ge [sflag:s26], $0x2000  }
0xa3: {  	[sflag:s26] =	ssyncset.done $0x0  }
0xa4: {  	s2 =	simm.s32 $0x2680;
	[sflag:s26] =	ssyncadd.s32 $0xFFFFE000  }
0xa5: {  	[spmem:s3] =	stream.indirect.scatter.add.f32 [tilespmem:s20], [sflag:$0x5], $0x40, s2, s15, $0xb8;
	[tilespmem:$0x14800] =	vst v63  }
0xa6: {  	_ =	swait.ge [sflag:s17], $0x2000  }
0xa7: {  	[sflag:s17] =	ssyncset.done $0x0  }
0xa8: {  	[sflag:s17] =	ssyncadd.s32 $0xFFFFE000  }
0xa9: {  	_ =	swait.ge [sflag:s28], $0x2000  }
0xaa: {  	[sflag:s28] =	ssyncset.done $0x0  }
0xab: {  	s18 =	simm.s32 $0x2700;
	[sflag:s28] =	ssyncadd.s32 $0xFFFFE000  }
0xac: {  	[spmem:s3] =	stream.indirect.scatter.add.f32 [tilespmem:s22], [sflag:$0x5], $0x40, s18, s15, $0xb8;
	[tilespmem:$0x14800] =	vst v63  }
0xad: {  	_ =	swait.ge [sflag:s17], $0x2000  }
0xae: {  	[sflag:s17] =	ssyncset.done $0x0  }
0xaf: {  	[sflag:s17] =	ssyncadd.s32 $0xFFFFE000  }
0xb0: {  	_ =	swait.ge [sflag:s29], $0x2000  }
0xb1: {  	[sflag:s29] =	ssyncset.done $0x0  }
0xb2: {  	s30 =	simm.s32 $0x2780;
	[sflag:s29] =	ssyncadd.s32 $0xFFFFE000  }
0xb3: {  	[spmem:s3] =	stream.indirect.scatter.add.f32 [tilespmem:s23], [sflag:$0x5], $0x40, s30, s15, $0xb8;
	[tilespmem:$0x14800] =	vst v63  }
0xb4: {  	_ =	swait.ge [sflag:s17], $0x2000  }
0xb5: {  	s21 =	sadd.s32 $0x1, s21;
	s31 =	stileid.u32;
	[sflag:s17] =	ssyncset.done $0x0  }
0xb6: {  	p0 =	sne.s32 s21, s10;
	s0 =	sshll.u32 s31, $0x6;
	[sflag:s17] =	ssyncadd.s32 $0xFFFFE000  }
.Ltmp1:
0xb7: {  	s0 =	sor.u32 $0x1C05, s0;
	[bflag:$0x0] =	sbarrier.arrive $0xFFFF;
	(pc) =	sbr.rel @p0 .LBB2_1-.Ltmp1, $4  }
0xb8: {  	[hbm:s9], [sflag:s0] =	dma.local [spmem:s25], $0x1400  }
0xb9: {  	_ =	swait.ge [sflag:s17], $0x1400  }
0xba: {  	[sflag:s17] =	ssyncset.done $0x0  }
0xbb: {  	[sflag:s17] =	ssyncadd.s32 $0xFFFFEC00  }
0xbc: {  	_ =	sfence.sel $0x180000  }
0xbd: {  	[bflag:$0x0] =	sbarrier.arrive $0xFFFF  }
0xbe: {  	_ =	strace $0x9000004D  }
0xbf: {  	s0 =	stileid.u32;
	[bflag:$0x2] =	sbarrier.arrive $0xFFFF  }
0xc0: {  	p0 =	sne.s32 s0, $0x0;
	s0 =	rddreg [dreg:$0x3]  }
0xc1: {  	s0 =	sadd.s32 @!p0 $0x100000, s0  }
0xc2: {  	[sflag:s0] =	ssyncadd.tile.s32 @!p0 $0x1;
	_ =	shalt  }
.Lfunc_end2:
_tile_overlayer_lowered:
.L_overlay_start_2:
0xc3: {  	(tag) =	ssettag $0x2  }
0xc4: {  	s0 =	rddreg [dreg:$0x0];
	s2 =	stileid.u32  }
0xc5: {  	s1 =	rddreg [dreg:$0x1];
	p0 =	sne.s32 s2, $0x0  }
0xc6: {  	s3 =	rddreg [dreg:$0x2];
	[bflag:$0x3] =	sbarrier.arrive $0xFFFF;
	s2 =	simm.s32 @!p0 $0x1C05  }
0xc7: {  	[timem:s3], [sflag:s2] =	dma.local @!p0 [hbm:s0], s1  }
0xc8: {  	s0 =	simm.s32 @!p0 $0x5  }
0xc9: {  	_ =	swait.ge @!p0 [sflag:s0], s1  }
0xca: {  	s1 =	ssub.s32 @!p0 $0x0, s1;
	[sflag:s0] =	ssyncset.done @!p0 $0x0  }
0xcb: {  	[sflag:s0] =	ssyncadd.s32 @!p0 s1  }
0xcc: {  	[bflag:$0x3] =	sbarrier.arrive $0xFFFF  }
0xcd: {  	_ =	shalt  }

// kernel: kernel.8.cloned.1.call-start
scs
__scs_entry_jumppad:
0x0: {  	(pc) =	sbr.rel $0x88, $3  }
0x1: {  	(tag) =	ssettag $0x0;
	lr =	simm.s32 $0x1  }
0x2: {  	[smem:$0x3F9B] =	sst lr;
	_ =	strace $0xD0000000  }
0x3: {  	_ = 	snop  }
0x4: {  	_ = 	snop  }
0x5: {  	_ = 	snop  }
0x6: {  	_ = 	snop  }
0x7: {  	_ = 	snop  }
__scs_overlays_trampoline_lowered:
0x8: {  	[smem:$0x3FAA] =	sst s0  }
0x9: {  	[smem:$0x3FAB] =	sst s1  }
0xa: {  	[smem:$0x3FAC] =	sst s2  }
0xb: {  	[smem:$0x3FAD] =	sst s3  }
0xc: {  	[smem:$0x3FAE] =	sst s4  }
0xd: {  	[smem:$0x3FAF] =	sst s5  }
0xe: {  	[smem:$0x3FB0] =	sst s6  }
0xf: {  	[smem:$0x3FB1] =	sst s7  }
0x10: {  	[smem:$0x3FB2] =	sst s8  }
0x11: {  	[smem:$0x3FB3] =	sst s9;
	s0 =	simm.s32 @!p0 $0x0  }
0x12: {  	s1 =	sld [smem:$0x3F99];
	s0 =	simm.s32 @p0 $0x1  }
0x13: {  	[smem:$0x3FB4] =	sst s0;
	s0 =	simm.s32 @!p1 $0x0  }
0x14: {  	s2 =	sld [smem:$0x3F98];
	s0 =	simm.s32 @p1 $0x1  }
0x15: {  	[smem:$0x3FB5] =	sst s0;
	s0 =	simm.s32 @!p2 $0x0  }
0x16: {  	s3 =	sld [smem:$0x3FDB];
	s0 =	simm.s32 @p2 $0x1  }
0x17: {  	s4 =	simm.s32 $0x1BF5;
	[smem:$0x3FB7] =	sst s0  }
0x18: {  	s0 =	sld [smem:$0x3F9A];
	_ =	swait.ge [sflag:s4], $0x0  }
0x19: {  	s7 =	sld [smem:$0x3F9B]  }
0x1a: {  	s8 =	sadd.s32 $0xFFFFE003, lr  }
0x1b: {  	s9 =	sadd.s32 $0xFFFFFEF7, lr;
	s5 =	simm.s32 $0xFFFFFFFF;
	p2 =	slt.u32 s8, $0xFFFFF086  }
0x1c: {  	p1 =	slt.u32 s9, $0xF7A;
	s5 =	simm.s32 @!p2 $0x0  }
0x1d: {  	s5 =	simm.s32 @p1 $0x1;
	p0 =	seq.s32 s7, s2  }
0x1e: {  	s7 =	smul.u32 @!p0 $0xF7A, s2;
	p2 =	seq.s32 @!p0 s5, $0x0  }
0x1f: {  	s9 =	smul.u32 $0xF7A, s1;
	s8 =	simm.s32 @!p0 $0x1BF5;
	p2 =	por !p2, p0  }
0x20: {  	[sflag:s8] =	ssyncset.s32 @!p0 $0xFFFFF086;
	s6 =	sadd.s32 @!p0 s3, s7;
	s7 =	simm.s32 @!p0 $0x108  }
0x21: {  	s3 =	sadd.s32 s3, s9;
	s6 =	sadd.s32 @!p0 $0x88, s6;
	s7 =	simm.s32 @p2 $0x1082  }
0x22: {  	[simem:s7], [sflag:s8] =	dma.local @!p0 [hbm:s6], $0xF7A  }
0x23: {  	s9 =	sor.u32 $0xD0000000, s2;
	s6 =	simm.s32 $0x108;
	_ =	swait.ge @!p0 [sflag:s8], $0x0  }
0x24: {  	s3 =	sadd.s32 $0x88, s3;
	s6 =	simm.s32 @!p1 $0x1082;
	[sflag:s4] =	ssyncset.s32 $0xFFFFF086  }
0x25: {  	[simem:s6], [sflag:s4] =	dma.local [hbm:s3], $0xF7A  }
0x26: {  	[smem:$0x3F9B] =	sst s1;
	(tag) =	ssettag s2;
	_ =	strace s9  }
0x27: {  	s1 =	sld [smem:$0x3FAB]  }
0x28: {  	s2 =	sld [smem:$0x3FAC]  }
0x29: {  	s4 =	sld [smem:$0x3FAE]  }
0x2a: {  	p0 =	seq.s32 s5, $0x0;
	s5 =	sld [smem:$0x3FAF]  }
0x2b: {  	s6 =	sld [smem:$0x3FB0]  }
0x2c: {  	s7 =	sld [smem:$0x3FB1]  }
0x2d: {  	s3 =	simm.s32 $0x108;
	s8 =	sld [smem:$0x3FB2]  }
0x2e: {  	s3 =	simm.s32 @!p0 $0x1082;
	s9 =	sld [smem:$0x3FB3]  }
0x2f: {  	lr =	sadd.s32 s0, s3;
	s0 =	sld [smem:$0x3FAA]  }
0x30: {  	s3 =	sld [smem:$0x3FAD]  }
0x31: {  	[smem:$0x3FB6] =	sst s10  }
0x32: {  	s10 =	sld [smem:$0x3FB4];
	_ =	sdelay $0x3  }
0x33: {  	p0 =	seq.s32 s10, $0x1;
	s10 =	sld [smem:$0x3FB6];
	_ =	sdelay $0x3  }
0x34: {  	[smem:$0x3FB6] =	sst s10  }
0x35: {  	s10 =	sld [smem:$0x3FB5];
	_ =	sdelay $0x3  }
0x36: {  	p1 =	seq.s32 s10, $0x1;
	s10 =	sld [smem:$0x3FB6];
	_ =	sdelay $0x3  }
0x37: {  	[smem:$0x3FB6] =	sst s10  }
0x38: {  	s10 =	sld [smem:$0x3FB7]  }
0x39: {  	_ = 	snop;
	(pc) =	sbr.ind lr, $3  }
0x3a: {  	_ = 	snop  }
0x3b: {  	_ = 	snop  }
0x3c: {  	p2 =	seq.s32 s10, $0x1;
	s10 =	sld [smem:$0x3FB6]  }
0x3d: {  	_ =	shalt  }
0x3e: {  	_ =	shalt  }
0x3f: {  	_ =	shalt  }
0x40: {  	_ =	shalt  }
0x41: {  	_ =	shalt  }
0x42: {  	_ =	shalt  }
0x43: {  	_ =	shalt  }
0x44: {  	_ =	shalt  }
0x45: {  	_ =	shalt  }
0x46: {  	_ =	shalt  }
0x47: {  	_ =	shalt  }
0x48: {  	_ =	shalt  }
0x49: {  	_ =	shalt  }
0x4a: {  	_ =	shalt  }
0x4b: {  	_ =	shalt  }
0x4c: {  	_ =	shalt  }
0x4d: {  	_ =	shalt  }
0x4e: {  	_ =	shalt  }
0x4f: {  	_ =	shalt  }
0x50: {  	_ =	shalt  }
0x51: {  	_ =	shalt  }
0x52: {  	_ =	shalt  }
0x53: {  	_ =	shalt  }
0x54: {  	_ =	shalt  }
0x55: {  	_ =	shalt  }
0x56: {  	_ =	shalt  }
0x57: {  	_ =	shalt  }
0x58: {  	_ =	shalt  }
0x59: {  	_ =	shalt  }
0x5a: {  	_ =	shalt  }
0x5b: {  	_ =	shalt  }
0x5c: {  	_ =	shalt  }
0x5d: {  	_ =	shalt  }
0x5e: {  	_ =	shalt  }
0x5f: {  	_ =	shalt  }
0x60: {  	_ =	shalt  }
0x61: {  	_ =	shalt  }
0x62: {  	_ =	shalt  }
0x63: {  	_ =	shalt  }
0x64: {  	_ =	shalt  }
0x65: {  	_ =	shalt  }
0x66: {  	_ =	shalt  }
0x67: {  	_ =	shalt  }
0x68: {  	_ =	shalt  }
0x69: {  	_ =	shalt  }
0x6a: {  	_ =	shalt  }
0x6b: {  	_ =	shalt  }
0x6c: {  	_ =	shalt  }
0x6d: {  	_ =	shalt  }
0x6e: {  	_ =	shalt  }
0x6f: {  	_ =	shalt  }
0x70: {  	_ =	shalt  }
0x71: {  	_ =	shalt  }
0x72: {  	_ =	shalt  }
0x73: {  	_ =	shalt  }
0x74: {  	_ =	shalt  }
0x75: {  	_ =	shalt  }
0x76: {  	_ =	shalt  }
0x77: {  	_ =	shalt  }
0x78: {  	_ =	shalt  }
0x79: {  	_ =	shalt  }
0x7a: {  	_ =	shalt  }
0x7b: {  	_ =	shalt  }
0x7c: {  	_ =	shalt  }
0x7d: {  	_ =	shalt  }
0x7e: {  	_ =	shalt  }
0x7f: {  	_ =	shalt  }
0x80: {  	_ =	shalt  }
0x81: {  	_ =	shalt  }
0x82: {  	_ =	shalt  }
0x83: {  	_ =	shalt  }
0x84: {  	_ =	shalt  }
0x85: {  	_ =	shalt  }
0x86: {  	_ =	shalt  }
0x87: {  	_ =	shalt  }
.Lfunc_end0:
.L_simem_size_0:
called_computation_lowered:
.L_overlay_start_0:
0x88: {  	s2 =	sld [smem:$0x3FD9]  }
0x89: {  	s3 =	sld [smem:$0x3FFE];
	_ =	sdelay $0x1  }
0x8a: {  	s1 =	srdreg.scid  }
0x8b: {  	s0 =	sand.u32 $0x1, s1  }
0x8c: {  	s17 =	sshll.u32 s0, $0xA;
	s2 =	sadd.s32 s3, s2  }
0x8d: {  	s2 =	sadd.s32 s2, s17  }
0x8e: {  	[smem:$0x3FC2] =	sst s2  }
0x8f: {  	_ = 	snop  }
0x90: {  	s2 =	sld [smem:$0x3FD0];
	(tm) =	ssettm $0x1  }
0x91: {  	s18 =	sld [smem:$0x3FFB];
	_ =	sdelay $0x3  }
0x92: {  	_ =	strace s18  }
0x93: {  	s3 =	sld [smem:$0x3FFC];
	_ =	sdelay $0x3  }
0x94: {  	_ =	strace s3  }
0x95: {  	s3 =	sld [smem:$0x3FFD];
	_ =	sdelay $0x3  }
0x96: {  	_ =	strace s3  }
0x97: {  	_ =	strace $0x8FFFFFFF  }
0x98: {  	s19 =	sld [smem:$0x3FDB];
	_ =	sdelay $0x1  }
0x99: {  	s4 =	simm.s32 $_scs_section_size  }
0x9a: {  	s5 =	simm.s32 $_size__tile_overlayer_lowered;
	s6 =	simm.s32 $_tile_overlayer_lowered  }
0x9b: {  	s22 =	simm.s32 $0x1BFF;
	s21 =	sshll.u32 s6, $0x1;
	s3 =	sadd.s32 s4, s19  }
0x9c: {  	s7 =	simm.s32 $0x0;
	s20 =	sshll.u32 s5, $0x1;
	s5 =	sadd.s32 s21, s3  }
0x9d: {  	[timem:s7], [sflag:s22] =	dma.local [hbm:s5], s20  }
0x9e: {  	_ =	swait.ge [sflag:s22], s20  }
0x9f: {  	s4 =	ssub.s32 $0x0, s20;
	[sflag:s22] =	ssyncset.done $0x0  }
0xa0: {  	[sflag:s22] =	ssyncadd.s32 s4;
	_ =	sdelay $0x1  }
0xa1: {  	s23 =	simm.s32 $0x1B8B  }
0xa2: {  	_ =	swait.ge [sflag:s23], $0x1  }
0xa3: {  	[sflag:s23] =	ssyncset.done $0x0  }
0xa4: {  	s25 =	simm.s32 $0x1B8E;
	s24 =	sld [smem:$0x3FFE];
	[sflag:s23] =	ssyncadd.s32 $0xFFFFFFFF  }
0xa5: {  	s26 =	simm.s32 $execute0_lowered;
	[smem:$0x3FD2] =	sst s25  }
0xa6: {  	s5 =	sshll.u32 s26, $0x1;
	_ =	strace $0x80000046;
	[dreg:$0x1] =	wrdreg $0xFFFFFFFF  }
0xa7: {  	s28 =	simm.s32 $_size_execute0_lowered;
	s3 =	sadd.s32 s3, s5;
	[dreg:$0x0] =	wrdreg $0x0  }
0xa8: {  	s5 =	sshll.u32 s28, $0x1;
	[dreg:$0x2] =	wrdreg s3  }
0xa9: {  	[dreg:$0x3] =	wrdreg s5  }
0xaa: {  	[dreg:$0x4] =	wrdreg $0xC0  }
0xab: {  	_ =	task [dreg:s7], $0x5FFFF  }
0xac: {  	[dreg:$0x1] =	wrdreg $0xFFFFFFFF  }
0xad: {  	[dreg:$0x0] =	wrdreg $0x60  }
0xae: {  	[dreg:$0x2] =	wrdreg s2  }
0xaf: {  	[dreg:$0x3] =	wrdreg s24  }
0xb0: {  	[dreg:$0x4] =	wrdreg $0x14800  }
0xb1: {  	[dreg:$0x5] =	wrdreg $0x9  }
0xb2: {  	_ =	task.clear_ibuf [dreg:s7], $0x6FFFF;
	_ =	strace $0x90000046  }
0xb3: {  	s29 =	simm.s32 $0x9;
	_ =	strace $0x80000048  }
0xb4: {  	_ =	swait.ge [sflag:s29], $0x1  }
0xb5: {  	[sflag:s29] =	ssyncadd.s32 $0xFFFFFFFF  }
0xb6: {  	_ =	strace $0x90000048  }
0xb7: {  	_ =	sfence  }
0xb8: {  	s30 =	sld [smem:$0x0];
	_ =	sdelay $0x2  }
0xb9: {  	s31 =	sshll.u32 s1, $0xD;
	s1 =	sshrl.u32 s1, $0x2  }
0xba: {  	s3 =	sand.u32 $0x4000, s31;
	s1 =	sadd.s32 s1, s30  }
0xbb: {  	s0 =	sor.u32 s3, s0;
	s1 =	sshll.u32 s1, $0x11  }
0xbc: {  	s0 =	sor.u32 s1, s0  }
0xbd: {  	s0 =	sadd.s32 $0x8F2B, s0  }
0xbe: {  	[sflag:s0] =	ssyncadd.remote.s32 $0x1  }
0xbf: {  	_ =	sfence.sel $0xFFFF  }
0xc0: {  	[dreg:$0x0] =	wrdreg $0xFFFFFFFF;
	(pc) =	sbr.abs _section_cstart, $3  }
0xc1: {  	[dreg:$0x1] =	wrdreg $0xFFFFFFFF  }
0xc2: {  	_ =	task.clear_ibuf [dreg:s7], $0x2FFFF;
	_ =	strace $0x9FFFFFFF  }
0xc3: {  	(tm) =	ssettm $0x7FFFFFFF  }
tec
execute0_lowered:
.L_overlay_start_1:
0x0: {  	(tag) =	ssettag $0x1  }
0x1: {  	s5 =	rddreg [dreg:$0x0]  }
0x2: {  	s6 =	rddreg [dreg:$0x1]  }
0x3: {  	s1 =	srdreg.scid;
	s0 =	stileid.u32  }
0x4: {  	s2 =	rddreg [dreg:$0x2];
	s3 =	simm.s32 $0x0;
	s13 =	simm.s32 $0x1400  }
0x5: {  	s14 =	simm.s32 $0x0;
	s7 =	sand.u32 $0x1, s1;
	s1 =	rddreg [dreg:$0x3]  }
0x6: {  	s8 =	smul.u32 $0x280, s0;
	[smem:$0x7FF] =	sst s3;
	s11 =	sshll.u32 s0, $0x4  }
0x7: {  	s31 =	sshll.u32 s0, $0x6;
	s4 =	smul.u32 $0x2800, s7;
	_ =	strace $0x80000047  }
0x8: {  	s10 =	ssub.s32 $0x2, s7;
	s7 =	sshll.u32 s7, $0x8;
	s5 =	sadd.s32 s5, s11  }
0x9: {  	s11 =	sor.u32 $0x1C01, s31;
	s30 =	sshrl.u32 s10, $0x1;
	s5 =	sadd.s32 s7, s5  }
0xa: {  	s12 =	sadd.s32 s8, s2;
	s9 =	sadd.s32 s8, s4;
	s4 =	sadd.s32 $0x7600, s6  }
0xb: {  	s8 =	simm.s32 $0x80;
	s12 =	sshrl.u32 s12, $0x3;
	s9 =	sshrl.u32 s9, $0x3  }
0xc: {  	s6 =	sadd.s32 s9, s6;
	s9 =	ssub.s32 s10, s30;
	s10 =	simm.s32 $0x1  }
0xd: {  	v0 =	vimm.f32 $1.000000000e+00;
	s6 =	sadd.s32 $0x7800, s6;
	s7 =	smax.u32 s9, $0x1;
	s9 =	simm.s32 $0x1000  }
.LBB2_1:
0xe: {  	[tilespmem:s3], [sflag:$0x1] =	stream.strided.gather [hbm4b:s5+s8], $0x1400, s9, s8, $0x38;
	[tilespmem:$0x1700] =	vst v63  }
0xf: {  	_ =	swait.ge [sflag:s10], $0x1400  }
0x10: {  	[sflag:s10] =	ssyncset.done $0x0  }
0x11: {  	[sflag:s10] =	ssyncadd.s32 $0xFFFFEC00  }
0x12: {  	[tilespmem:$0x1400] =	vst v0  }
0x13: {  	[tilespmem:$0x1410] =	vst v0  }
0x14: {  	[tilespmem:$0x1420] =	vst v0  }
0x15: {  	[tilespmem:$0x1430] =	vst v0  }
0x16: {  	[tilespmem:$0x1440] =	vst v0  }
0x17: {  	[tilespmem:$0x1450] =	vst v0  }
0x18: {  	[tilespmem:$0x1460] =	vst v0  }
0x19: {  	[tilespmem:$0x1470] =	vst v0  }
0x1a: {  	[spmem:s12], [sflag:s11] =	dma.local [hbm:s4], $0x50  }
0x1b: {  	_ =	swait.ge [sflag:s10], $0x50  }
0x1c: {  	[sflag:s10] =	ssyncset.done $0x0  }
0x1d: {  	[sflag:s10] =	ssyncadd.s32 $0xFFFFFFB0  }
0x1e: {  	s15 =	simm.s32 $0x0;
	[bflag:$0x0] =	sbarrier.arrive $0xFFFF  }
0x1f: {  	[spmem:s2] =	stream.indirect.scatter.add.f32 [tilespmem:s13], [sflag:$0x1], $0x1, s15, s8, $0xb8;
	[tilespmem:$0x1700] =	vst v63  }
0x20: {  	_ =	swait.ge [sflag:s10], $0x80  }
0x21: {  	s15 =	simm.s32 $0x200;
	[sflag:s10] =	ssyncset.done $0x0  }
.LBB2_2:
0x22: {  	s16 =	sshra.s32 s15, $0x2;
	[sflag:s10] =	ssyncadd.s32 $0xFFFFFF80;
	p0 =	sne.s32 s15, $0x4E00  }
0x23: {  	[spmem:s2] =	stream.indirect.scatter.add.f32 [tilespmem:s13], [sflag:$0x1], $0x1, s16, s8, $0xb8;
	[tilespmem:$0x1700] =	vst v63  }
.Ltmp0:
0x24: {  	_ = 	snop;
	(pc) =	sbr.rel @p0 .LBB2_2-.Ltmp0, $4  }
0x25: {  	_ = 	snop  }
0x26: {  	s15 =	sadd.s32 $0x200, s15  }
0x27: {  	_ =	swait.ge [sflag:s10], $0x80  }
0x28: {  	[sflag:s10] =	ssyncset.done $0x0  }
0x29: {  	s14 =	sadd.s32 $0x1, s14  }
0x2a: {  	[sflag:s10] =	ssyncadd.s32 $0xFFFFFF80;
	p0 =	sne.s32 s14, s7  }
.Ltmp1:
0x2b: {  	[bflag:$0x0] =	sbarrier.arrive $0xFFFF;
	(pc) =	sbr.rel @p0 .LBB2_1-.Ltmp1, $4  }
0x2c: {  	[hbm:s6], [sflag:s11] =	dma.local [spmem:s12], $0x50  }
0x2d: {  	_ =	swait.ge [sflag:s10], $0x50  }
0x2e: {  	[sflag:s10] =	ssyncset.done $0x0  }
0x2f: {  	[sflag:s10] =	ssyncadd.s32 $0xFFFFFFB0  }
0x30: {  	_ =	sfence.sel $0x180000  }
0x31: {  	[bflag:$0x0] =	sbarrier.arrive $0xFFFF  }
0x32: {  	p0 =	sne.s32 s0, $0x0;
	_ =	strace $0x90000047  }
0x33: {  	s0 =	sadd.s32 @!p0 $0x100000, s1;
	[bflag:$0x2] =	sbarrier.arrive $0xFFFF  }
0x34: {  	[sflag:s0] =	ssyncadd.tile.s32 @!p0 $0x1;
	_ =	shalt  }
.Lfunc_end2:
_tile_overlayer_lowered:
.L_overlay_start_2:
0x35: {  	(tag) =	ssettag $0x2  }
0x36: {  	s0 =	rddreg [dreg:$0x0];
	s2 =	stileid.u32  }
0x37: {  	s1 =	rddreg [dreg:$0x1];
	p0 =	sne.s32 s2, $0x0  }
0x38: {  	s3 =	rddreg [dreg:$0x2];
	[bflag:$0x3] =	sbarrier.arrive $0xFFFF;
	s2 =	simm.s32 @!p0 $0x1C01  }
0x39: {  	[timem:s3], [sflag:s2] =	dma.local @!p0 [hbm:s0], s1  }
0x3a: {  	s0 =	simm.s32 @!p0 $0x1  }
0x3b: {  	_ =	swait.ge @!p0 [sflag:s0], s1  }
0x3c: {  	s1 =	ssub.s32 @!p0 $0x0, s1;
	[sflag:s0] =	ssyncset.done @!p0 $0x0  }
0x3d: {  	[sflag:s0] =	ssyncadd.s32 @!p0 s1  }
0x3e: {  	[bflag:$0x3] =	sbarrier.arrive $0xFFFF  }
0x3f: {  	_ =	shalt  }

</sc_bundles>
